<compile_context>
chip_gen: v7x
topology: tpu7x:2x2x1
jax: 0.10.2.dev20260603
libtpu: 0.0.44.dev20260713+nightly
codegen_flags: <defaults>
</compile_context>

<pallas_src>
import jax
import jax.numpy as jnp
from jax import lax
from jax.experimental import pallas as pl
from jax.experimental.pallas import tpu as pltpu
from jax.experimental.pallas import tpu_sc as plsc

N = 10000
E = 320000
G = 64
F = 8
NC = 2
NS = 16
TILES = NC * NS
EPT = E // TILES
CH = 80
NCH = EPT // CH
RPS = N // NS

_HI = lax.Precision.HIGHEST


def _sc_segsum_body(table_hbm, src_hbm, dst_hbm, zeros_hbm, out_hbm,
                    src_v, dst_v, rows_a, rows_b, acc_sh, sem_a, sem_b):
    c = lax.axis_index("c")
    s = lax.axis_index("s")
    wid = c * NS + s

    @pl.when(s == 0)
    def _():
        pltpu.sync_copy(zeros_hbm, acc_sh)

    plsc.subcore_barrier()
    pltpu.sync_copy(src_hbm.at[wid], src_v)
    pltpu.sync_copy(dst_hbm.at[wid], dst_v)

    def gat(j, buf, sem):
        return pltpu.make_async_copy(table_hbm.at[src_v.at[j]], buf, sem)

    def step(j, carry):
        gat(j, rows_a, sem_a).start()
        gat(j, rows_a, sem_a).wait()
        pltpu.sync_copy(rows_a, acc_sh.at[dst_v.at[j]], add=True)
        return carry

    lax.fori_loop(0, NCH, step, 0)
    plsc.subcore_barrier()

    @pl.when(s == 0)
    def _():
        pltpu.sync_copy(acc_sh, out_hbm.at[c])


_segsum8 = pl.kernel(
    _sc_segsum_body,
    out_type=jax.ShapeDtypeStruct((NC, N, F), jnp.float32),
    mesh=plsc.VectorSubcoreMesh(core_axis_name="c", subcore_axis_name="s"),
    scratch_types=[
        pltpu.VMEM((NCH, CH), jnp.int32),
        pltpu.VMEM((NCH, CH), jnp.int32),
        pltpu.VMEM((CH, F), jnp.float32),
        pltpu.VMEM((CH, F), jnp.float32),
        pltpu.VMEM_SHARED((N, F), jnp.float32),
        pltpu.SemaphoreType.DMA,
        pltpu.SemaphoreType.DMA,
    ],
    compiler_params=pltpu.CompilerParams(use_tc_tiling_on_sc=False),
)


def _proj_body(x_ref, w_ref, o_ref):
    o_ref[...] = jnp.dot(x_ref[...], w_ref[...],
                         preferred_element_type=jnp.float32, precision=_HI)


_proj = pl.pallas_call(
    _proj_body, out_shape=jax.ShapeDtypeStruct((N, F), jnp.float32))


def _mlp1_body(u_ref, p_ref, b1_ref, w2_ref, b2_ref, g1_ref, be1_ref, o_ref):
    z = u_ref[...] + p_ref[0] + p_ref[1] + b1_ref[...]
    z = jnp.maximum(z, 0.0)
    z = jnp.dot(z, w2_ref[...], preferred_element_type=jnp.float32,
                precision=_HI) + b2_ref[...]
    z = jnp.maximum(z, 0.0)
    mu = jnp.mean(z, axis=0)
    var = jnp.mean((z - mu) ** 2, axis=0)
    o_ref[...] = (z - mu) / jnp.sqrt(var + 1e-5) * g1_ref[...] + be1_ref[...]


_mlp1 = pl.pallas_call(
    _mlp1_body, out_shape=jax.ShapeDtypeStruct((N, F), jnp.float32))


def _mlp2_body(h_ref, p_ref, w3_ref, b3_ref, w4_ref, b4_ref, g2_ref, be2_ref,
               batch_ref, wf_ref, bf_ref, o_ref):
    z = h_ref[...] + p_ref[0] + p_ref[1]
    z = jnp.maximum(jnp.dot(z, w3_ref[...], preferred_element_type=jnp.float32,
                            precision=_HI) + b3_ref[...], 0.0)
    z = jnp.maximum(jnp.dot(z, w4_ref[...], preferred_element_type=jnp.float32,
                            precision=_HI) + b4_ref[...], 0.0)
    mu = jnp.mean(z, axis=0)
    var = jnp.mean((z - mu) ** 2, axis=0)
    h2 = (z - mu) / jnp.sqrt(var + 1e-5) * g2_ref[...] + be2_ref[...]

    b = batch_ref[...]
    onehot = (b[:, None] == lax.broadcasted_iota(jnp.int32, (N, G), 1)
              ).astype(jnp.float32)
    sump = lax.dot_general(onehot, h2, (((0,), (0,)), ((), ())),
                           preferred_element_type=jnp.float32, precision=_HI)
    counts = jnp.sum(onehot, axis=0)
    meanp = sump / jnp.maximum(counts, 1.0)[:, None]

    grow = lax.broadcasted_iota(jnp.int32, (G, 16), 0)

    def mx(g, maxp):
        m = jnp.max(jnp.where(b[:, None] == g, h2, -jnp.inf), axis=0)
        return jnp.where(grow == g, m[None, :], maxp)

    maxp = lax.fori_loop(0, G, mx, jnp.full((G, 16), -jnp.inf, jnp.float32))

    o_ref[...] = (jnp.dot(maxp, wf_ref[pl.ds(0, 16), :],
                          preferred_element_type=jnp.float32, precision=_HI)
                  + jnp.dot(meanp, wf_ref[pl.ds(16, 16), :],
                            preferred_element_type=jnp.float32, precision=_HI)
                  + bf_ref[...])


_mlp2 = pl.pallas_call(
    _mlp2_body, out_shape=jax.ShapeDtypeStruct((G, 2), jnp.float32))


def kernel(x, edge_index, batch, W1, b1, W2, b2, g1, be1,
           W3, b3, W4, b4, g2, be2, Wf, bf):
    src = edge_index[0].reshape(TILES, NCH, CH)
    dst = edge_index[1].reshape(TILES, NCH, CH)
    zeros8 = jnp.zeros((N, F), jnp.float32)
    u = _proj(x, W1)
    p1 = _segsum8(u, src, dst, zeros8)
    h1 = _mlp1(u, p1, b1, W2, b2, g1, be1)
    p2 = _segsum8(h1, src, dst, zeros8)
    return _mlp2(h1, p2, W3, b3, W4, b4, g2, be2, batch, Wf, bf)

# --- scband reference (transcript-rebuilt; emitter-appended) ---
"""Pipeline reference for scband-gin-76776835383357 (READ-ONLY COPY).

The authoritative reference and input builder live on the scoring server;
editing this copy changes nothing except your own understanding.
"""

import jax, jax.numpy as jnp
import numpy as np

N = 10000
E = 320000
D = 128
G = 64

def setup_inputs(seed: int = 0) -> dict:
    key = jax.random.key(seed)
    ks = jax.random.split(key, 12)
    x = jax.random.normal(ks[0], (N, D), dtype=jnp.float32)
    edge_index = jax.random.randint(ks[1], (2, E), 0, N, dtype=jnp.int32)
    batch = jnp.sort(jax.random.randint(ks[2], (N,), 0, G, dtype=jnp.int32))
    W1 = jax.random.normal(ks[3], (D, 8), dtype=jnp.float32) * 0.1
    b1 = jnp.zeros((8,), jnp.float32)
    W2 = jax.random.normal(ks[4], (8, 8), dtype=jnp.float32) * 0.3
    b2 = jnp.zeros((8,), jnp.float32)
    g1 = jnp.ones((8,), jnp.float32)
    be1 = jnp.zeros((8,), jnp.float32)
    W3 = jax.random.normal(ks[5], (8, 16), dtype=jnp.float32) * 0.3
    b3 = jnp.zeros((16,), jnp.float32)
    W4 = jax.random.normal(ks[6], (16, 16), dtype=jnp.float32) * 0.25
    b4 = jnp.zeros((16,), jnp.float32)
    g2 = jnp.ones((16,), jnp.float32)
    be2 = jnp.zeros((16,), jnp.float32)
    Wf = jax.random.normal(ks[7], (32, 2), dtype=jnp.float32) * 0.1
    bf = jnp.zeros((2,), jnp.float32)
    return {"x": x, "edge_index": edge_index, "batch": batch,
            "W1": W1, "b1": b1, "W2": W2, "b2": b2, "g1": g1, "be1": be1,
            "W3": W3, "b3": b3, "W4": W4, "b4": b4, "g2": g2, "be2": be2,
            "Wf": Wf, "bf": bf}


def reference(x, edge_index, batch, W1, b1, W2, b2, g1, be1, W3, b3, W4, b4, g2, be2, Wf, bf):
    src = edge_index[0]
    dst = edge_index[1]

    def bn(h, g, be):
        mu = jnp.mean(h, axis=0)
        var = jnp.var(h, axis=0)
        return (h - mu) / jnp.sqrt(var + 1e-5) * g + be

    def gin_conv(h, Wa, ba, Wb, bb, g, be):
        # GINConv with eps=0: out = MLP((1+eps)*x_i + sum_{j in N(i)} x_j)
        aggr = jax.ops.segment_sum(h[src], dst, num_segments=h.shape[0])
        z = h + aggr
        z = jax.nn.relu(z @ Wa + ba)
        z = jax.nn.relu(z @ Wb + bb)
        return bn(z, g, be)

    h = gin_conv(x, W1, b1, W2, b2, g1, be1)
    h = gin_conv(h, W3, b3, W4, b4, g2, be2)
    # global max pool + global mean pool over graphs (batch ids)
    maxp = jax.ops.segment_max(h, batch, num_segments=G)
    sump = jax.ops.segment_sum(h, batch, num_segments=G)
    counts = jax.ops.segment_sum(jnp.ones((h.shape[0], 1), jnp.float32), batch, num_segments=G)
    meanp = sump / jnp.maximum(counts, 1.0)
    pooled = jnp.concatenate([maxp, meanp], axis=1)
    out = pooled @ Wf + bf
    return out

if __name__ == "__main__":
    import jax
    _d = setup_inputs()
    print(jax.jit(kernel)(*tuple(_d.values())))

</pallas_src>

<mosaic_0001>
#map = affine_map<(d0, d1) -> (0, 0)>
#map1 = affine_map<(d0, d1) -> (0, 0, 0)>
module attributes {stable_mosaic.version = 14 : i64} {
  func.func @_sc_segsum_body(%arg0: i32, %arg1: i32, %arg2: memref<10000x8xf32, #tpu.memory_space<hbm>>, %arg3: memref<32x125x80xi32, #tpu.memory_space<hbm>>, %arg4: memref<32x125x80xi32, #tpu.memory_space<hbm>>, %arg5: memref<10000x8xf32, #tpu.memory_space<hbm>>, %arg6: memref<2x10000x8xf32, #tpu.memory_space<hbm>>, %arg7: memref<125x80xi32, #tpu.memory_space<vmem>>, %arg8: memref<125x80xi32, #tpu.memory_space<vmem>>, %arg9: memref<80x8xf32, #tpu.memory_space<vmem>>, %arg10: memref<80x8xf32, #tpu.memory_space<vmem>>, %arg11: memref<10000x8xf32, #tpu.memory_space<vmem_shared>>, %arg12: memref<!tpu.dma_semaphore, #tpu.memory_space<semaphore_mem>>, %arg13: memref<!tpu.dma_semaphore, #tpu.memory_space<semaphore_mem>>) attributes {dimension_semantics = [#tpu.dimension_semantics<core_parallel>, #tpu.dimension_semantics<subcore_parallel>], iteration_bounds = array<i64: 2, 16>, scalar_prefetch = 0 : i64, scratch_operands = 7 : i64, tpu.core_type = #tpu.core_type<sc_vector_subcore>, window_params = [{transform_indices = #map}, {transform_indices = #map1}, {transform_indices = #map1}, {transform_indices = #map}, {transform_indices = #map1}]} {
    %mul3A = arith.constant 16 : i32
    %mul3A_0 = arith.muli %arg0, %mul3A : i32
    %add3A = arith.addi %mul3A_0, %arg1 : i32
    %eq3A = arith.constant 0 : i32
    %eq3A_1 = arith.cmpi eq, %arg1, %eq3A : i32
    %convert_element_type3A = arith.extui %eq3A_1 : i1 to i32
    %cond3A = arith.constant 0 : i32
    %cond3A_2 = arith.cmpi ne, %convert_element_type3A, %cond3A : i32
    scf.if %cond3A_2 {
      "tpu.region"() ({
        %run_scoped3A = tpu.sem_alloc : memref<!tpu.dma_semaphore, #tpu.memory_space<semaphore_mem>>
        tpu.enqueue_dma source(%arg5 : memref<10000x8xf32, #tpu.memory_space<hbm>>) target(%arg11 : memref<10000x8xf32, #tpu.memory_space<vmem_shared>>) target_semaphore(%run_scoped3A : memref<!tpu.dma_semaphore, #tpu.memory_space<semaphore_mem>>)
        tpu.wait_dma2 semaphore(%run_scoped3A : memref<!tpu.dma_semaphore, #tpu.memory_space<semaphore_mem>>) src(%arg5 : memref<10000x8xf32, #tpu.memory_space<hbm>>) dst(%arg11 : memref<10000x8xf32, #tpu.memory_space<vmem_shared>>)
        tpu.yield
      }) : () -> ()
    } else {
    }
    %barrier3A = arith.constant 0 : index
    tpu.barrier barrier_id(%barrier3A)
    "tpu.region"() ({
      %run_scoped3A = tpu.sem_alloc : memref<!tpu.dma_semaphore, #tpu.memory_space<semaphore_mem>>
      %dma_start3A = arith.constant 0 : i32
      %dma_start3A_14 = arith.constant 0 : i32
      %dma_start3A_15 = tpu.memref_slice %arg3[%add3A, %dma_start3A, %dma_start3A_14] : memref<32x125x80xi32, #tpu.memory_space<hbm>> -> memref<1x125x80xi32, #tpu.memory_space<hbm>>
      %dma_start3A_16 = tpu.memref_squeeze %dma_start3A_15 : memref<1x125x80xi32, #tpu.memory_space<hbm>> -> memref<125x80xi32, #tpu.memory_space<hbm>>
      %dma_start3A_17 = arith.constant 0 : i32
      %dma_start3A_18 = arith.constant 0 : i32
      %dma_start3A_19 = tpu.memref_slice %arg3[%add3A, %dma_start3A_17, %dma_start3A_18] : memref<32x125x80xi32, #tpu.memory_space<hbm>> -> memref<1x125x80xi32, #tpu.memory_space<hbm>>
      %dma_start3A_20 = tpu.memref_squeeze %dma_start3A_19 : memref<1x125x80xi32, #tpu.memory_space<hbm>> -> memref<125x80xi32, #tpu.memory_space<hbm>>
      tpu.enqueue_dma source(%dma_start3A_20 : memref<125x80xi32, #tpu.memory_space<hbm>>) target(%arg7 : memref<125x80xi32, #tpu.memory_space<vmem>>) target_semaphore(%run_scoped3A : memref<!tpu.dma_semaphore, #tpu.memory_space<semaphore_mem>>)
      %dma_wait3A = arith.constant 0 : i32
      %dma_wait3A_21 = arith.constant 0 : i32
      %dma_wait3A_22 = tpu.memref_slice %arg3[%add3A, %dma_wait3A, %dma_wait3A_21] : memref<32x125x80xi32, #tpu.memory_space<hbm>> -> memref<1x125x80xi32, #tpu.memory_space<hbm>>
      %dma_wait3A_23 = tpu.memref_squeeze %dma_wait3A_22 : memref<1x125x80xi32, #tpu.memory_space<hbm>> -> memref<125x80xi32, #tpu.memory_space<hbm>>
      %dma_wait3A_24 = arith.constant 0 : i32
      %dma_wait3A_25 = arith.constant 0 : i32
      %dma_wait3A_26 = tpu.memref_slice %arg3[%add3A, %dma_wait3A_24, %dma_wait3A_25] : memref<32x125x80xi32, #tpu.memory_space<hbm>> -> memref<1x125x80xi32, #tpu.memory_space<hbm>>
      %dma_wait3A_27 = tpu.memref_squeeze %dma_wait3A_26 : memref<1x125x80xi32, #tpu.memory_space<hbm>> -> memref<125x80xi32, #tpu.memory_space<hbm>>
      tpu.wait_dma2 semaphore(%run_scoped3A : memref<!tpu.dma_semaphore, #tpu.memory_space<semaphore_mem>>) src(%dma_wait3A_27 : memref<125x80xi32, #tpu.memory_space<hbm>>) dst(%arg7 : memref<125x80xi32, #tpu.memory_space<vmem>>)
      tpu.yield
    }) : () -> ()
    "tpu.region"() ({
      %run_scoped3A = tpu.sem_alloc : memref<!tpu.dma_semaphore, #tpu.memory_space<semaphore_mem>>
      %dma_start3A = arith.constant 0 : i32
      %dma_start3A_14 = arith.constant 0 : i32
      %dma_start3A_15 = tpu.memref_slice %arg4[%add3A, %dma_start3A, %dma_start3A_14] : memref<32x125x80xi32, #tpu.memory_space<hbm>> -> memref<1x125x80xi32, #tpu.memory_space<hbm>>
      %dma_start3A_16 = tpu.memref_squeeze %dma_start3A_15 : memref<1x125x80xi32, #tpu.memory_space<hbm>> -> memref<125x80xi32, #tpu.memory_space<hbm>>
      %dma_start3A_17 = arith.constant 0 : i32
      %dma_start3A_18 = arith.constant 0 : i32
      %dma_start3A_19 = tpu.memref_slice %arg4[%add3A, %dma_start3A_17, %dma_start3A_18] : memref<32x125x80xi32, #tpu.memory_space<hbm>> -> memref<1x125x80xi32, #tpu.memory_space<hbm>>
      %dma_start3A_20 = tpu.memref_squeeze %dma_start3A_19 : memref<1x125x80xi32, #tpu.memory_space<hbm>> -> memref<125x80xi32, #tpu.memory_space<hbm>>
      tpu.enqueue_dma source(%dma_start3A_20 : memref<125x80xi32, #tpu.memory_space<hbm>>) target(%arg8 : memref<125x80xi32, #tpu.memory_space<vmem>>) target_semaphore(%run_scoped3A : memref<!tpu.dma_semaphore, #tpu.memory_space<semaphore_mem>>)
      %dma_wait3A = arith.constant 0 : i32
      %dma_wait3A_21 = arith.constant 0 : i32
      %dma_wait3A_22 = tpu.memref_slice %arg4[%add3A, %dma_wait3A, %dma_wait3A_21] : memref<32x125x80xi32, #tpu.memory_space<hbm>> -> memref<1x125x80xi32, #tpu.memory_space<hbm>>
      %dma_wait3A_23 = tpu.memref_squeeze %dma_wait3A_22 : memref<1x125x80xi32, #tpu.memory_space<hbm>> -> memref<125x80xi32, #tpu.memory_space<hbm>>
      %dma_wait3A_24 = arith.constant 0 : i32
      %dma_wait3A_25 = arith.constant 0 : i32
      %dma_wait3A_26 = tpu.memref_slice %arg4[%add3A, %dma_wait3A_24, %dma_wait3A_25] : memref<32x125x80xi32, #tpu.memory_space<hbm>> -> memref<1x125x80xi32, #tpu.memory_space<hbm>>
      %dma_wait3A_27 = tpu.memref_squeeze %dma_wait3A_26 : memref<1x125x80xi32, #tpu.memory_space<hbm>> -> memref<125x80xi32, #tpu.memory_space<hbm>>
      tpu.wait_dma2 semaphore(%run_scoped3A : memref<!tpu.dma_semaphore, #tpu.memory_space<semaphore_mem>>) src(%dma_wait3A_27 : memref<125x80xi32, #tpu.memory_space<hbm>>) dst(%arg8 : memref<125x80xi32, #tpu.memory_space<vmem>>)
      tpu.yield
    }) : () -> ()
    %scan3A = arith.constant 0 : i32
    %scan3A_3 = arith.constant 0 : i32
    %scan3A_4 = arith.constant 125 : i32
    %scan3A_5 = arith.addi %scan3A_3, %scan3A_4 : i32
    %scan3A_6 = arith.constant 1 : i32
    scf.for %scan3A_14 = %scan3A_3 to %scan3A_5 step %scan3A_6  : i32 {
      %dma_start3A = arith.constant 0 : i32
      %dma_start3A_15 = tpu.memref_slice %arg7[%scan3A_14, %dma_start3A] : memref<125x80xi32, #tpu.memory_space<vmem>> -> memref<1x80xi32, #tpu.memory_space<vmem>>
      %dma_start3A_16 = tpu.memref_squeeze %dma_start3A_15 : memref<1x80xi32, #tpu.memory_space<vmem>> -> memref<80xi32, #tpu.memory_space<vmem>>
      %dma_start3A_17 = arith.constant 0 : i32
      %dma_start3A_18 = arith.constant 0 : i32
      %dma_start3A_19 = tpu.memref_slice %arg2[%dma_start3A_17, %dma_start3A_18] : memref<10000x8xf32, #tpu.memory_space<hbm>> -> memref<10000x8xf32, #tpu.memory_space<hbm>>
      tpu.enqueue_indirect_dma source(%dma_start3A_19 : memref<10000x8xf32, #tpu.memory_space<hbm>>) target(%arg9 : memref<80x8xf32, #tpu.memory_space<vmem>>) offsets(%dma_start3A_16 : memref<80xi32, #tpu.memory_space<vmem>>) semaphore(%arg12 : memref<!tpu.dma_semaphore, #tpu.memory_space<semaphore_mem>>)
      %dma_wait3A = arith.constant 0 : i32
      %dma_wait3A_20 = tpu.memref_slice %arg7[%scan3A_14, %dma_wait3A] : memref<125x80xi32, #tpu.memory_space<vmem>> -> memref<1x80xi32, #tpu.memory_space<vmem>>
      %dma_wait3A_21 = tpu.memref_squeeze %dma_wait3A_20 : memref<1x80xi32, #tpu.memory_space<vmem>> -> memref<80xi32, #tpu.memory_space<vmem>>
      %dma_wait3A_22 = arith.constant 0 : i32
      %dma_wait3A_23 = arith.constant 0 : i32
      %dma_wait3A_24 = tpu.memref_slice %arg2[%dma_wait3A_22, %dma_wait3A_23] : memref<10000x8xf32, #tpu.memory_space<hbm>> -> memref<10000x8xf32, #tpu.memory_space<hbm>>
      tpu.wait_indirect_dma semaphore(%arg12 : memref<!tpu.dma_semaphore, #tpu.memory_space<semaphore_mem>>) src(%dma_wait3A_24 : memref<10000x8xf32, #tpu.memory_space<hbm>>) dst(%arg9 : memref<80x8xf32, #tpu.memory_space<vmem>>)
      "tpu.region"() ({
        %run_scoped3A = tpu.sem_alloc : memref<!tpu.dma_semaphore, #tpu.memory_space<semaphore_mem>>
        %dma_start3A_25 = arith.constant 0 : i32
        %dma_start3A_26 = tpu.memref_slice %arg8[%scan3A_14, %dma_start3A_25] : memref<125x80xi32, #tpu.memory_space<vmem>> -> memref<1x80xi32, #tpu.memory_space<vmem>>
        %dma_start3A_27 = tpu.memref_squeeze %dma_start3A_26 : memref<1x80xi32, #tpu.memory_space<vmem>> -> memref<80xi32, #tpu.memory_space<vmem>>
        %dma_start3A_28 = arith.constant 0 : i32
        %dma_start3A_29 = arith.constant 0 : i32
        %dma_start3A_30 = tpu.memref_slice %arg11[%dma_start3A_28, %dma_start3A_29] : memref<10000x8xf32, #tpu.memory_space<vmem_shared>> -> memref<10000x8xf32, #tpu.memory_space<vmem_shared>>
        tpu.enqueue_indirect_dma source(%arg9 : memref<80x8xf32, #tpu.memory_space<vmem>>) target(%dma_start3A_30 : memref<10000x8xf32, #tpu.memory_space<vmem_shared>>) offsets(%dma_start3A_27 : memref<80xi32, #tpu.memory_space<vmem>>) semaphore(%run_scoped3A : memref<!tpu.dma_semaphore, #tpu.memory_space<semaphore_mem>>) {add = true}
        %dma_wait3A_31 = arith.constant 0 : i32
        %dma_wait3A_32 = tpu.memref_slice %arg8[%scan3A_14, %dma_wait3A_31] : memref<125x80xi32, #tpu.memory_space<vmem>> -> memref<1x80xi32, #tpu.memory_space<vmem>>
        %dma_wait3A_33 = tpu.memref_squeeze %dma_wait3A_32 : memref<1x80xi32, #tpu.memory_space<vmem>> -> memref<80xi32, #tpu.memory_space<vmem>>
        %dma_wait3A_34 = arith.constant 0 : i32
        %dma_wait3A_35 = arith.constant 0 : i32
        %dma_wait3A_36 = tpu.memref_slice %arg11[%dma_wait3A_34, %dma_wait3A_35] : memref<10000x8xf32, #tpu.memory_space<vmem_shared>> -> memref<10000x8xf32, #tpu.memory_space<vmem_shared>>
        tpu.wait_indirect_dma semaphore(%run_scoped3A : memref<!tpu.dma_semaphore, #tpu.memory_space<semaphore_mem>>) src(%arg9 : memref<80x8xf32, #tpu.memory_space<vmem>>) dst(%dma_wait3A_36 : memref<10000x8xf32, #tpu.memory_space<vmem_shared>>)
        tpu.yield
      }) : () -> ()
    }
    %scan3A_7 = arith.constant 125 : i32
    %barrier3A_8 = arith.constant 0 : index
    tpu.barrier barrier_id(%barrier3A_8)
    %eq3A_9 = arith.constant 0 : i32
    %eq3A_10 = arith.cmpi eq, %arg1, %eq3A_9 : i32
    %convert_element_type3A_11 = arith.extui %eq3A_10 : i1 to i32
    %cond3A_12 = arith.constant 0 : i32
    %cond3A_13 = arith.cmpi ne, %convert_element_type3A_11, %cond3A_12 : i32
    scf.if %cond3A_13 {
      "tpu.region"() ({
        %run_scoped3A = tpu.sem_alloc : memref<!tpu.dma_semaphore, #tpu.memory_space<semaphore_mem>>
        %dma_start3A = arith.constant 0 : i32
        %dma_start3A_14 = arith.constant 0 : i32
        %dma_start3A_15 = tpu.memref_slice %arg6[%arg0, %dma_start3A, %dma_start3A_14] : memref<2x10000x8xf32, #tpu.memory_space<hbm>> -> memref<1x10000x8xf32, #tpu.memory_space<hbm>>
        %dma_start3A_16 = tpu.memref_squeeze %dma_start3A_15 : memref<1x10000x8xf32, #tpu.memory_space<hbm>> -> memref<10000x8xf32, #tpu.memory_space<hbm>>
        tpu.enqueue_dma source(%arg11 : memref<10000x8xf32, #tpu.memory_space<vmem_shared>>) target(%dma_start3A_16 : memref<10000x8xf32, #tpu.memory_space<hbm>>) target_semaphore(%run_scoped3A : memref<!tpu.dma_semaphore, #tpu.memory_space<semaphore_mem>>)
        %dma_wait3A = arith.constant 0 : i32
        %dma_wait3A_17 = arith.constant 0 : i32
        %dma_wait3A_18 = tpu.memref_slice %arg6[%arg0, %dma_wait3A, %dma_wait3A_17] : memref<2x10000x8xf32, #tpu.memory_space<hbm>> -> memref<1x10000x8xf32, #tpu.memory_space<hbm>>
        %dma_wait3A_19 = tpu.memref_squeeze %dma_wait3A_18 : memref<1x10000x8xf32, #tpu.memory_space<hbm>> -> memref<10000x8xf32, #tpu.memory_space<hbm>>
        tpu.wait_dma2 semaphore(%run_scoped3A : memref<!tpu.dma_semaphore, #tpu.memory_space<semaphore_mem>>) src(%arg11 : memref<10000x8xf32, #tpu.memory_space<vmem_shared>>) dst(%dma_wait3A_19 : memref<10000x8xf32, #tpu.memory_space<hbm>>)
        tpu.yield
      }) : () -> ()
    } else {
    }
    return
  }
}

#map = affine_map<(d0, d1) -> (0, 0)>
#map1 = affine_map<(d0, d1) -> (0, 0, 0)>
module attributes {stable_mosaic.version = 14 : i64} {
  func.func @_sc_segsum_body(%arg0: i32, %arg1: i32, %arg2: memref<10000x8xf32, #tpu.memory_space<hbm>>, %arg3: memref<32x125x80xi32, #tpu.memory_space<hbm>>, %arg4: memref<32x125x80xi32, #tpu.memory_space<hbm>>, %arg5: memref<10000x8xf32, #tpu.memory_space<hbm>>, %arg6: memref<2x10000x8xf32, #tpu.memory_space<hbm>>, %arg7: memref<125x80xi32, #tpu.memory_space<vmem>>, %arg8: memref<125x80xi32, #tpu.memory_space<vmem>>, %arg9: memref<80x8xf32, #tpu.memory_space<vmem>>, %arg10: memref<80x8xf32, #tpu.memory_space<vmem>>, %arg11: memref<10000x8xf32, #tpu.memory_space<vmem_shared>>, %arg12: memref<!tpu.dma_semaphore, #tpu.memory_space<semaphore_mem>>, %arg13: memref<!tpu.dma_semaphore, #tpu.memory_space<semaphore_mem>>) attributes {dimension_semantics = [#tpu.dimension_semantics<core_parallel>, #tpu.dimension_semantics<subcore_parallel>], iteration_bounds = array<i64: 2, 16>, scalar_prefetch = 0 : i64, scratch_operands = 7 : i64, tpu.core_type = #tpu.core_type<sc_vector_subcore>, window_params = [{transform_indices = #map}, {transform_indices = #map1}, {transform_indices = #map1}, {transform_indices = #map}, {transform_indices = #map1}]} {
    %mul3A = arith.constant 16 : i32
    %mul3A_0 = arith.muli %arg0, %mul3A : i32
    %add3A = arith.addi %mul3A_0, %arg1 : i32
    %eq3A = arith.constant 0 : i32
    %eq3A_1 = arith.cmpi eq, %arg1, %eq3A : i32
    %convert_element_type3A = arith.extui %eq3A_1 : i1 to i32
    %cond3A = arith.constant 0 : i32
    %cond3A_2 = arith.cmpi ne, %convert_element_type3A, %cond3A : i32
    scf.if %cond3A_2 {
      "tpu.region"() ({
        %run_scoped3A = tpu.sem_alloc : memref<!tpu.dma_semaphore, #tpu.memory_space<semaphore_mem>>
        tpu.enqueue_dma source(%arg5 : memref<10000x8xf32, #tpu.memory_space<hbm>>) target(%arg11 : memref<10000x8xf32, #tpu.memory_space<vmem_shared>>) target_semaphore(%run_scoped3A : memref<!tpu.dma_semaphore, #tpu.memory_space<semaphore_mem>>)
        tpu.wait_dma2 semaphore(%run_scoped3A : memref<!tpu.dma_semaphore, #tpu.memory_space<semaphore_mem>>) src(%arg5 : memref<10000x8xf32, #tpu.memory_space<hbm>>) dst(%arg11 : memref<10000x8xf32, #tpu.memory_space<vmem_shared>>)
        tpu.yield
      }) : () -> ()
    } else {
    }
    %barrier3A = arith.constant 0 : index
    tpu.barrier barrier_id(%barrier3A)
    "tpu.region"() ({
      %run_scoped3A = tpu.sem_alloc : memref<!tpu.dma_semaphore, #tpu.memory_space<semaphore_mem>>
      %dma_start3A = arith.constant 0 : i32
      %dma_start3A_14 = arith.constant 0 : i32
      %dma_start3A_15 = tpu.memref_slice %arg3[%add3A, %dma_start3A, %dma_start3A_14] : memref<32x125x80xi32, #tpu.memory_space<hbm>> -> memref<1x125x80xi32, #tpu.memory_space<hbm>>
      %dma_start3A_16 = tpu.memref_squeeze %dma_start3A_15 : memref<1x125x80xi32, #tpu.memory_space<hbm>> -> memref<125x80xi32, #tpu.memory_space<hbm>>
      %dma_start3A_17 = arith.constant 0 : i32
      %dma_start3A_18 = arith.constant 0 : i32
      %dma_start3A_19 = tpu.memref_slice %arg3[%add3A, %dma_start3A_17, %dma_start3A_18] : memref<32x125x80xi32, #tpu.memory_space<hbm>> -> memref<1x125x80xi32, #tpu.memory_space<hbm>>
      %dma_start3A_20 = tpu.memref_squeeze %dma_start3A_19 : memref<1x125x80xi32, #tpu.memory_space<hbm>> -> memref<125x80xi32, #tpu.memory_space<hbm>>
      tpu.enqueue_dma source(%dma_start3A_20 : memref<125x80xi32, #tpu.memory_space<hbm>>) target(%arg7 : memref<125x80xi32, #tpu.memory_space<vmem>>) target_semaphore(%run_scoped3A : memref<!tpu.dma_semaphore, #tpu.memory_space<semaphore_mem>>)
      %dma_wait3A = arith.constant 0 : i32
      %dma_wait3A_21 = arith.constant 0 : i32
      %dma_wait3A_22 = tpu.memref_slice %arg3[%add3A, %dma_wait3A, %dma_wait3A_21] : memref<32x125x80xi32, #tpu.memory_space<hbm>> -> memref<1x125x80xi32, #tpu.memory_space<hbm>>
      %dma_wait3A_23 = tpu.memref_squeeze %dma_wait3A_22 : memref<1x125x80xi32, #tpu.memory_space<hbm>> -> memref<125x80xi32, #tpu.memory_space<hbm>>
      %dma_wait3A_24 = arith.constant 0 : i32
      %dma_wait3A_25 = arith.constant 0 : i32
      %dma_wait3A_26 = tpu.memref_slice %arg3[%add3A, %dma_wait3A_24, %dma_wait3A_25] : memref<32x125x80xi32, #tpu.memory_space<hbm>> -> memref<1x125x80xi32, #tpu.memory_space<hbm>>
      %dma_wait3A_27 = tpu.memref_squeeze %dma_wait3A_26 : memref<1x125x80xi32, #tpu.memory_space<hbm>> -> memref<125x80xi32, #tpu.memory_space<hbm>>
      tpu.wait_dma2 semaphore(%run_scoped3A : memref<!tpu.dma_semaphore, #tpu.memory_space<semaphore_mem>>) src(%dma_wait3A_27 : memref<125x80xi32, #tpu.memory_space<hbm>>) dst(%arg7 : memref<125x80xi32, #tpu.memory_space<vmem>>)
      tpu.yield
    }) : () -> ()
    "tpu.region"() ({
      %run_scoped3A = tpu.sem_alloc : memref<!tpu.dma_semaphore, #tpu.memory_space<semaphore_mem>>
      %dma_start3A = arith.constant 0 : i32
      %dma_start3A_14 = arith.constant 0 : i32
      %dma_start3A_15 = tpu.memref_slice %arg4[%add3A, %dma_start3A, %dma_start3A_14] : memref<32x125x80xi32, #tpu.memory_space<hbm>> -> memref<1x125x80xi32, #tpu.memory_space<hbm>>
      %dma_start3A_16 = tpu.memref_squeeze %dma_start3A_15 : memref<1x125x80xi32, #tpu.memory_space<hbm>> -> memref<125x80xi32, #tpu.memory_space<hbm>>
      %dma_start3A_17 = arith.constant 0 : i32
      %dma_start3A_18 = arith.constant 0 : i32
      %dma_start3A_19 = tpu.memref_slice %arg4[%add3A, %dma_start3A_17, %dma_start3A_18] : memref<32x125x80xi32, #tpu.memory_space<hbm>> -> memref<1x125x80xi32, #tpu.memory_space<hbm>>
      %dma_start3A_20 = tpu.memref_squeeze %dma_start3A_19 : memref<1x125x80xi32, #tpu.memory_space<hbm>> -> memref<125x80xi32, #tpu.memory_space<hbm>>
      tpu.enqueue_dma source(%dma_start3A_20 : memref<125x80xi32, #tpu.memory_space<hbm>>) target(%arg8 : memref<125x80xi32, #tpu.memory_space<vmem>>) target_semaphore(%run_scoped3A : memref<!tpu.dma_semaphore, #tpu.memory_space<semaphore_mem>>)
      %dma_wait3A = arith.constant 0 : i32
      %dma_wait3A_21 = arith.constant 0 : i32
      %dma_wait3A_22 = tpu.memref_slice %arg4[%add3A, %dma_wait3A, %dma_wait3A_21] : memref<32x125x80xi32, #tpu.memory_space<hbm>> -> memref<1x125x80xi32, #tpu.memory_space<hbm>>
      %dma_wait3A_23 = tpu.memref_squeeze %dma_wait3A_22 : memref<1x125x80xi32, #tpu.memory_space<hbm>> -> memref<125x80xi32, #tpu.memory_space<hbm>>
      %dma_wait3A_24 = arith.constant 0 : i32
      %dma_wait3A_25 = arith.constant 0 : i32
      %dma_wait3A_26 = tpu.memref_slice %arg4[%add3A, %dma_wait3A_24, %dma_wait3A_25] : memref<32x125x80xi32, #tpu.memory_space<hbm>> -> memref<1x125x80xi32, #tpu.memory_space<hbm>>
      %dma_wait3A_27 = tpu.memref_squeeze %dma_wait3A_26 : memref<1x125x80xi32, #tpu.memory_space<hbm>> -> memref<125x80xi32, #tpu.memory_space<hbm>>
      tpu.wait_dma2 semaphore(%run_scoped3A : memref<!tpu.dma_semaphore, #tpu.memory_space<semaphore_mem>>) src(%dma_wait3A_27 : memref<125x80xi32, #tpu.memory_space<hbm>>) dst(%arg8 : memref<125x80xi32, #tpu.memory_space<vmem>>)
      tpu.yield
    }) : () -> ()
    %scan3A = arith.constant 0 : i32
    %scan3A_3 = arith.constant 0 : i32
    %scan3A_4 = arith.constant 125 : i32
    %scan3A_5 = arith.addi %scan3A_3, %scan3A_4 : i32
    %scan3A_6 = arith.constant 1 : i32
    scf.for %scan3A_14 = %scan3A_3 to %scan3A_5 step %scan3A_6  : i32 {
      %dma_start3A = arith.constant 0 : i32
      %dma_start3A_15 = tpu.memref_slice %arg7[%scan3A_14, %dma_start3A] : memref<125x80xi32, #tpu.memory_space<vmem>> -> memref<1x80xi32, #tpu.memory_space<vmem>>
      %dma_start3A_16 = tpu.memref_squeeze %dma_start3A_15 : memref<1x80xi32, #tpu.memory_space<vmem>> -> memref<80xi32, #tpu.memory_space<vmem>>
      %dma_start3A_17 = arith.constant 0 : i32
      %dma_start3A_18 = arith.constant 0 : i32
      %dma_start3A_19 = tpu.memref_slice %arg2[%dma_start3A_17, %dma_start3A_18] : memref<10000x8xf32, #tpu.memory_space<hbm>> -> memref<10000x8xf32, #tpu.memory_space<hbm>>
      tpu.enqueue_indirect_dma source(%dma_start3A_19 : memref<10000x8xf32, #tpu.memory_space<hbm>>) target(%arg9 : memref<80x8xf32, #tpu.memory_space<vmem>>) offsets(%dma_start3A_16 : memref<80xi32, #tpu.memory_space<vmem>>) semaphore(%arg12 : memref<!tpu.dma_semaphore, #tpu.memory_space<semaphore_mem>>)
      %dma_wait3A = arith.constant 0 : i32
      %dma_wait3A_20 = tpu.memref_slice %arg7[%scan3A_14, %dma_wait3A] : memref<125x80xi32, #tpu.memory_space<vmem>> -> memref<1x80xi32, #tpu.memory_space<vmem>>
      %dma_wait3A_21 = tpu.memref_squeeze %dma_wait3A_20 : memref<1x80xi32, #tpu.memory_space<vmem>> -> memref<80xi32, #tpu.memory_space<vmem>>
      %dma_wait3A_22 = arith.constant 0 : i32
      %dma_wait3A_23 = arith.constant 0 : i32
      %dma_wait3A_24 = tpu.memref_slice %arg2[%dma_wait3A_22, %dma_wait3A_23] : memref<10000x8xf32, #tpu.memory_space<hbm>> -> memref<10000x8xf32, #tpu.memory_space<hbm>>
      tpu.wait_indirect_dma semaphore(%arg12 : memref<!tpu.dma_semaphore, #tpu.memory_space<semaphore_mem>>) src(%dma_wait3A_24 : memref<10000x8xf32, #tpu.memory_space<hbm>>) dst(%arg9 : memref<80x8xf32, #tpu.memory_space<vmem>>)
      "tpu.region"() ({
        %run_scoped3A = tpu.sem_alloc : memref<!tpu.dma_semaphore, #tpu.memory_space<semaphore_mem>>
        %dma_start3A_25 = arith.constant 0 : i32
        %dma_start3A_26 = tpu.memref_slice %arg8[%scan3A_14, %dma_start3A_25] : memref<125x80xi32, #tpu.memory_space<vmem>> -> memref<1x80xi32, #tpu.memory_space<vmem>>
        %dma_start3A_27 = tpu.memref_squeeze %dma_start3A_26 : memref<1x80xi32, #tpu.memory_space<vmem>> -> memref<80xi32, #tpu.memory_space<vmem>>
        %dma_start3A_28 = arith.constant 0 : i32
        %dma_start3A_29 = arith.constant 0 : i32
        %dma_start3A_30 = tpu.memref_slice %arg11[%dma_start3A_28, %dma_start3A_29] : memref<10000x8xf32, #tpu.memory_space<vmem_shared>> -> memref<10000x8xf32, #tpu.memory_space<vmem_shared>>
        tpu.enqueue_indirect_dma source(%arg9 : memref<80x8xf32, #tpu.memory_space<vmem>>) target(%dma_start3A_30 : memref<10000x8xf32, #tpu.memory_space<vmem_shared>>) offsets(%dma_start3A_27 : memref<80xi32, #tpu.memory_space<vmem>>) semaphore(%run_scoped3A : memref<!tpu.dma_semaphore, #tpu.memory_space<semaphore_mem>>) {add = true}
        %dma_wait3A_31 = arith.constant 0 : i32
        %dma_wait3A_32 = tpu.memref_slice %arg8[%scan3A_14, %dma_wait3A_31] : memref<125x80xi32, #tpu.memory_space<vmem>> -> memref<1x80xi32, #tpu.memory_space<vmem>>
        %dma_wait3A_33 = tpu.memref_squeeze %dma_wait3A_32 : memref<1x80xi32, #tpu.memory_space<vmem>> -> memref<80xi32, #tpu.memory_space<vmem>>
        %dma_wait3A_34 = arith.constant 0 : i32
        %dma_wait3A_35 = arith.constant 0 : i32
        %dma_wait3A_36 = tpu.memref_slice %arg11[%dma_wait3A_34, %dma_wait3A_35] : memref<10000x8xf32, #tpu.memory_space<vmem_shared>> -> memref<10000x8xf32, #tpu.memory_space<vmem_shared>>
        tpu.wait_indirect_dma semaphore(%run_scoped3A : memref<!tpu.dma_semaphore, #tpu.memory_space<semaphore_mem>>) src(%arg9 : memref<80x8xf32, #tpu.memory_space<vmem>>) dst(%dma_wait3A_36 : memref<10000x8xf32, #tpu.memory_space<vmem_shared>>)
        tpu.yield
      }) : () -> ()
    }
    %scan3A_7 = arith.constant 125 : i32
    %barrier3A_8 = arith.constant 0 : index
    tpu.barrier barrier_id(%barrier3A_8)
    %eq3A_9 = arith.constant 0 : i32
    %eq3A_10 = arith.cmpi eq, %arg1, %eq3A_9 : i32
    %convert_element_type3A_11 = arith.extui %eq3A_10 : i1 to i32
    %cond3A_12 = arith.constant 0 : i32
    %cond3A_13 = arith.cmpi ne, %convert_element_type3A_11, %cond3A_12 : i32
    scf.if %cond3A_13 {
      "tpu.region"() ({
        %run_scoped3A = tpu.sem_alloc : memref<!tpu.dma_semaphore, #tpu.memory_space<semaphore_mem>>
        %dma_start3A = arith.constant 0 : i32
        %dma_start3A_14 = arith.constant 0 : i32
        %dma_start3A_15 = tpu.memref_slice %arg6[%arg0, %dma_start3A, %dma_start3A_14] : memref<2x10000x8xf32, #tpu.memory_space<hbm>> -> memref<1x10000x8xf32, #tpu.memory_space<hbm>>
        %dma_start3A_16 = tpu.memref_squeeze %dma_start3A_15 : memref<1x10000x8xf32, #tpu.memory_space<hbm>> -> memref<10000x8xf32, #tpu.memory_space<hbm>>
        tpu.enqueue_dma source(%arg11 : memref<10000x8xf32, #tpu.memory_space<vmem_shared>>) target(%dma_start3A_16 : memref<10000x8xf32, #tpu.memory_space<hbm>>) target_semaphore(%run_scoped3A : memref<!tpu.dma_semaphore, #tpu.memory_space<semaphore_mem>>)
        %dma_wait3A = arith.constant 0 : i32
        %dma_wait3A_17 = arith.constant 0 : i32
        %dma_wait3A_18 = tpu.memref_slice %arg6[%arg0, %dma_wait3A, %dma_wait3A_17] : memref<2x10000x8xf32, #tpu.memory_space<hbm>> -> memref<1x10000x8xf32, #tpu.memory_space<hbm>>
        %dma_wait3A_19 = tpu.memref_squeeze %dma_wait3A_18 : memref<1x10000x8xf32, #tpu.memory_space<hbm>> -> memref<10000x8xf32, #tpu.memory_space<hbm>>
        tpu.wait_dma2 semaphore(%run_scoped3A : memref<!tpu.dma_semaphore, #tpu.memory_space<semaphore_mem>>) src(%arg11 : memref<10000x8xf32, #tpu.memory_space<vmem_shared>>) dst(%dma_wait3A_19 : memref<10000x8xf32, #tpu.memory_space<hbm>>)
        tpu.yield
      }) : () -> ()
    } else {
    }
    return
  }
}

module attributes {stable_mosaic.version = 14 : i64} {
  func.func @_proj_body(%arg0: memref<10000x128xf32, #tpu.memory_space<vmem>>, %arg1: memref<128x8xf32, #tpu.memory_space<vmem>>, %arg2: memref<10000x8xf32, #tpu.memory_space<vmem>>) attributes {dimension_semantics = [], scalar_prefetch = 0 : i64, scratch_operands = 0 : i64, tpu.core_type = #tpu.core_type<tc>} {
    %get3A = arith.constant 0 : index
    %get3A_0 = arith.constant 0 : index
    %get3A_1 = vector.load %arg0[%get3A, %get3A_0] : memref<10000x128xf32, #tpu.memory_space<vmem>>, vector<10000x128xf32>
    %get3A_2 = arith.constant 0 : index
    %get3A_3 = arith.constant 0 : index
    %get3A_4 = vector.load %arg1[%get3A_2, %get3A_3] : memref<128x8xf32, #tpu.memory_space<vmem>>, vector<128x8xf32>
    %dot_general3A = arith.constant dense<0.000000e+00> : vector<10000x8xf32>
    %dot_general3A_5 = tpu.matmul %get3A_1, %get3A_4, %dot_general3A {dimension_numbers = #tpu.dot_dimension_numbers<[1], [0], [0], [1], [0, 0, 1, 1], [], []>, precision = #tpu.contract_precision<fp32>, transpose_lhs_hint = false} : vector<10000x128xf32>, vector<128x8xf32>, vector<10000x8xf32> -> vector<10000x8xf32>
    %swap3A = arith.constant 0 : index
    %swap3A_6 = arith.constant 0 : index
    %swap3A_7 = vector.load %arg2[%swap3A, %swap3A_6] : memref<10000x8xf32, #tpu.memory_space<vmem>>, vector<10000x8xf32>
    tpu.vector_store %arg2[%swap3A, %swap3A_6], %dot_general3A_5 {strides = array<i32>} : memref<10000x8xf32, #tpu.memory_space<vmem>>, vector<10000x8xf32>,
    return
  }
}

module attributes {stable_mosaic.version = 14 : i64} {
  func.func @_mlp1_body(%arg0: memref<10000x8xf32, #tpu.memory_space<vmem>>, %arg1: memref<2x10000x8xf32, #tpu.memory_space<vmem>>, %arg2: memref<8xf32, #tpu.memory_space<vmem>>, %arg3: memref<8x8xf32, #tpu.memory_space<vmem>>, %arg4: memref<8xf32, #tpu.memory_space<vmem>>, %arg5: memref<8xf32, #tpu.memory_space<vmem>>, %arg6: memref<8xf32, #tpu.memory_space<vmem>>, %arg7: memref<10000x8xf32, #tpu.memory_space<vmem>>) attributes {dimension_semantics = [], scalar_prefetch = 0 : i64, scratch_operands = 0 : i64, tpu.core_type = #tpu.core_type<tc>} {
    %get3A = arith.constant 0 : index
    %get3A_0 = arith.constant 0 : index
    %get3A_1 = vector.load %arg0[%get3A, %get3A_0] : memref<10000x8xf32, #tpu.memory_space<vmem>>, vector<10000x8xf32>
    %get3A_2 = arith.constant 0 : index
    %get3A_3 = arith.constant 0 : index
    %get3A_4 = arith.constant 0 : index
    %get3A_5 = vector.load %arg1[%get3A_2, %get3A_3, %get3A_4] : memref<2x10000x8xf32, #tpu.memory_space<vmem>>, vector<1x10000x8xf32>
    %get3A_6 = vector.shape_cast %get3A_5 : vector<1x10000x8xf32> to vector<10000x8xf32>
    %add3A = arith.addf %get3A_1, %get3A_6 : vector<10000x8xf32>
    %get3A_7 = arith.constant 1 : index
    %get3A_8 = arith.constant 0 : index
    %get3A_9 = arith.constant 0 : index
    %get3A_10 = vector.load %arg1[%get3A_7, %get3A_8, %get3A_9] : memref<2x10000x8xf32, #tpu.memory_space<vmem>>, vector<1x10000x8xf32>
    %get3A_11 = vector.shape_cast %get3A_10 : vector<1x10000x8xf32> to vector<10000x8xf32>
    %add3A_12 = arith.addf %add3A, %get3A_11 : vector<10000x8xf32>
    %get3A_13 = arith.constant 0 : index
    %get3A_14 = vector.load %arg2[%get3A_13] : memref<8xf32, #tpu.memory_space<vmem>>, vector<8xf32>
    %broadcast_in_dim3A = vector.shape_cast %get3A_14 : vector<8xf32> to vector<1x8xf32>
    %add3A_15 = vector.broadcast %broadcast_in_dim3A : vector<1x8xf32> to vector<10000x8xf32>
    %add3A_16 = arith.addf %add3A_12, %add3A_15 : vector<10000x8xf32>
    %max3A = arith.constant 0.000000e+00 : f32
    %max3A_17 = vector.broadcast %max3A : f32 to vector<10000x8xf32>
    %max3A_18 = arith.maximumf %add3A_16, %max3A_17 : vector<10000x8xf32>
    %get3A_19 = arith.constant 0 : index
    %get3A_20 = arith.constant 0 : index
    %get3A_21 = vector.load %arg3[%get3A_19, %get3A_20] : memref<8x8xf32, #tpu.memory_space<vmem>>, vector<8x8xf32>
    %dot_general3A = arith.constant dense<0.000000e+00> : vector<10000x8xf32>
    %dot_general3A_22 = tpu.matmul %max3A_18, %get3A_21, %dot_general3A {dimension_numbers = #tpu.dot_dimension_numbers<[1], [0], [0], [1], [0, 0, 1, 1], [], []>, precision = #tpu.contract_precision<fp32>, transpose_lhs_hint = false} : vector<10000x8xf32>, vector<8x8xf32>, vector<10000x8xf32> -> vector<10000x8xf32>
    %get3A_23 = arith.constant 0 : index
    %get3A_24 = vector.load %arg4[%get3A_23] : memref<8xf32, #tpu.memory_space<vmem>>, vector<8xf32>
    %broadcast_in_dim3A_25 = vector.shape_cast %get3A_24 : vector<8xf32> to vector<1x8xf32>
    %add3A_26 = vector.broadcast %broadcast_in_dim3A_25 : vector<1x8xf32> to vector<10000x8xf32>
    %add3A_27 = arith.addf %dot_general3A_22, %add3A_26 : vector<10000x8xf32>
    %max3A_28 = arith.constant 0.000000e+00 : f32
    %max3A_29 = vector.broadcast %max3A_28 : f32 to vector<10000x8xf32>
    %max3A_30 = arith.maximumf %add3A_27, %max3A_29 : vector<10000x8xf32>
    %reduce_sum3A = arith.constant dense<0.000000e+00> : vector<8xf32>
    %reduce_sum3A_31 = vector.multi_reduction <add>, %max3A_30, %reduce_sum3A [0] : vector<10000x8xf32> to vector<8xf32>
    %div3A = arith.constant 1.000000e+04 : f32
    %div3A_32 = vector.broadcast %div3A : f32 to vector<8xf32>
    %div3A_33 = arith.divf %reduce_sum3A_31, %div3A_32 : vector<8xf32>
    %broadcast_in_dim3A_34 = vector.shape_cast %div3A_33 : vector<8xf32> to vector<1x8xf32>
    %sub3A = vector.broadcast %broadcast_in_dim3A_34 : vector<1x8xf32> to vector<10000x8xf32>
    %sub3A_35 = arith.subf %max3A_30, %sub3A : vector<10000x8xf32>
    %integer_pow3A = arith.mulf %sub3A_35, %sub3A_35 : vector<10000x8xf32>
    %reduce_sum3A_36 = arith.constant dense<0.000000e+00> : vector<8xf32>
    %reduce_sum3A_37 = vector.multi_reduction <add>, %integer_pow3A, %reduce_sum3A_36 [0] : vector<10000x8xf32> to vector<8xf32>
    %div3A_38 = arith.constant 1.000000e+04 : f32
    %div3A_39 = vector.broadcast %div3A_38 : f32 to vector<8xf32>
    %div3A_40 = arith.divf %reduce_sum3A_37, %div3A_39 : vector<8xf32>
    %broadcast_in_dim3A_41 = vector.shape_cast %div3A_33 : vector<8xf32> to vector<1x8xf32>
    %sub3A_42 = vector.broadcast %broadcast_in_dim3A_41 : vector<1x8xf32> to vector<10000x8xf32>
    %sub3A_43 = arith.subf %max3A_30, %sub3A_42 : vector<10000x8xf32>
    %add3A_44 = arith.constant 9.99999974E-6 : f32
    %add3A_45 = vector.broadcast %add3A_44 : f32 to vector<8xf32>
    %add3A_46 = arith.addf %div3A_40, %add3A_45 : vector<8xf32>
    %sqrt3A = math.sqrt %add3A_46 : vector<8xf32>
    %broadcast_in_dim3A_47 = vector.shape_cast %sqrt3A : vector<8xf32> to vector<1x8xf32>
    %div3A_48 = vector.broadcast %broadcast_in_dim3A_47 : vector<1x8xf32> to vector<10000x8xf32>
    %div3A_49 = arith.divf %sub3A_43, %div3A_48 : vector<10000x8xf32>
    %get3A_50 = arith.constant 0 : index
    %get3A_51 = vector.load %arg5[%get3A_50] : memref<8xf32, #tpu.memory_space<vmem>>, vector<8xf32>
    %broadcast_in_dim3A_52 = vector.shape_cast %get3A_51 : vector<8xf32> to vector<1x8xf32>
    %mul3A = vector.broadcast %broadcast_in_dim3A_52 : vector<1x8xf32> to vector<10000x8xf32>
    %mul3A_53 = arith.mulf %div3A_49, %mul3A : vector<10000x8xf32>
    %get3A_54 = arith.constant 0 : index
    %get3A_55 = vector.load %arg6[%get3A_54] : memref<8xf32, #tpu.memory_space<vmem>>, vector<8xf32>
    %broadcast_in_dim3A_56 = vector.shape_cast %get3A_55 : vector<8xf32> to vector<1x8xf32>
    %add3A_57 = vector.broadcast %broadcast_in_dim3A_56 : vector<1x8xf32> to vector<10000x8xf32>
    %add3A_58 = arith.addf %mul3A_53, %add3A_57 : vector<10000x8xf32>
    %swap3A = arith.constant 0 : index
    %swap3A_59 = arith.constant 0 : index
    %swap3A_60 = vector.load %arg7[%swap3A, %swap3A_59] : memref<10000x8xf32, #tpu.memory_space<vmem>>, vector<10000x8xf32>
    tpu.vector_store %arg7[%swap3A, %swap3A_59], %add3A_58 {strides = array<i32>} : memref<10000x8xf32, #tpu.memory_space<vmem>>, vector<10000x8xf32>,
    return
  }
}

module attributes {stable_mosaic.version = 14 : i64} {
  func.func @_mlp2_body(%arg0: memref<10000x8xf32, #tpu.memory_space<vmem>>, %arg1: memref<2x10000x8xf32, #tpu.memory_space<vmem>>, %arg2: memref<8x16xf32, #tpu.memory_space<vmem>>, %arg3: memref<16xf32, #tpu.memory_space<vmem>>, %arg4: memref<16x16xf32, #tpu.memory_space<vmem>>, %arg5: memref<16xf32, #tpu.memory_space<vmem>>, %arg6: memref<16xf32, #tpu.memory_space<vmem>>, %arg7: memref<16xf32, #tpu.memory_space<vmem>>, %arg8: memref<10000xi32, #tpu.memory_space<vmem>>, %arg9: memref<32x2xf32, #tpu.memory_space<vmem>>, %arg10: memref<2xf32, #tpu.memory_space<vmem>>, %arg11: memref<64x2xf32, #tpu.memory_space<vmem>>) attributes {dimension_semantics = [], scalar_prefetch = 0 : i64, scratch_operands = 0 : i64, tpu.core_type = #tpu.core_type<tc>} {
    %get3A = arith.constant 0 : index
    %get3A_0 = arith.constant 0 : index
    %get3A_1 = vector.load %arg0[%get3A, %get3A_0] : memref<10000x8xf32, #tpu.memory_space<vmem>>, vector<10000x8xf32>
    %get3A_2 = arith.constant 0 : index
    %get3A_3 = arith.constant 0 : index
    %get3A_4 = arith.constant 0 : index
    %get3A_5 = vector.load %arg1[%get3A_2, %get3A_3, %get3A_4] : memref<2x10000x8xf32, #tpu.memory_space<vmem>>, vector<1x10000x8xf32>
    %get3A_6 = vector.shape_cast %get3A_5 : vector<1x10000x8xf32> to vector<10000x8xf32>
    %add3A = arith.addf %get3A_1, %get3A_6 : vector<10000x8xf32>
    %get3A_7 = arith.constant 1 : index
    %get3A_8 = arith.constant 0 : index
    %get3A_9 = arith.constant 0 : index
    %get3A_10 = vector.load %arg1[%get3A_7, %get3A_8, %get3A_9] : memref<2x10000x8xf32, #tpu.memory_space<vmem>>, vector<1x10000x8xf32>
    %get3A_11 = vector.shape_cast %get3A_10 : vector<1x10000x8xf32> to vector<10000x8xf32>
    %add3A_12 = arith.addf %add3A, %get3A_11 : vector<10000x8xf32>
    %get3A_13 = arith.constant 0 : index
    %get3A_14 = arith.constant 0 : index
    %get3A_15 = vector.load %arg2[%get3A_13, %get3A_14] : memref<8x16xf32, #tpu.memory_space<vmem>>, vector<8x16xf32>
    %dot_general3A = arith.constant dense<0.000000e+00> : vector<10000x16xf32>
    %dot_general3A_16 = tpu.matmul %add3A_12, %get3A_15, %dot_general3A {dimension_numbers = #tpu.dot_dimension_numbers<[1], [0], [0], [1], [0, 0, 1, 1], [], []>, precision = #tpu.contract_precision<fp32>, transpose_lhs_hint = false} : vector<10000x8xf32>, vector<8x16xf32>, vector<10000x16xf32> -> vector<10000x16xf32>
    %get3A_17 = arith.constant 0 : index
    %get3A_18 = vector.load %arg3[%get3A_17] : memref<16xf32, #tpu.memory_space<vmem>>, vector<16xf32>
    %broadcast_in_dim3A = vector.shape_cast %get3A_18 : vector<16xf32> to vector<1x16xf32>
    %add3A_19 = vector.broadcast %broadcast_in_dim3A : vector<1x16xf32> to vector<10000x16xf32>
    %add3A_20 = arith.addf %dot_general3A_16, %add3A_19 : vector<10000x16xf32>
    %max3A = arith.constant 0.000000e+00 : f32
    %max3A_21 = vector.broadcast %max3A : f32 to vector<10000x16xf32>
    %max3A_22 = arith.maximumf %add3A_20, %max3A_21 : vector<10000x16xf32>
    %get3A_23 = arith.constant 0 : index
    %get3A_24 = arith.constant 0 : index
    %get3A_25 = vector.load %arg4[%get3A_23, %get3A_24] : memref<16x16xf32, #tpu.memory_space<vmem>>, vector<16x16xf32>
    %dot_general3A_26 = arith.constant dense<0.000000e+00> : vector<10000x16xf32>
    %dot_general3A_27 = tpu.matmul %max3A_22, %get3A_25, %dot_general3A_26 {dimension_numbers = #tpu.dot_dimension_numbers<[1], [0], [0], [1], [0, 0, 1, 1], [], []>, precision = #tpu.contract_precision<fp32>, transpose_lhs_hint = false} : vector<10000x16xf32>, vector<16x16xf32>, vector<10000x16xf32> -> vector<10000x16xf32>
    %get3A_28 = arith.constant 0 : index
    %get3A_29 = vector.load %arg5[%get3A_28] : memref<16xf32, #tpu.memory_space<vmem>>, vector<16xf32>
    %broadcast_in_dim3A_30 = vector.shape_cast %get3A_29 : vector<16xf32> to vector<1x16xf32>
    %add3A_31 = vector.broadcast %broadcast_in_dim3A_30 : vector<1x16xf32> to vector<10000x16xf32>
    %add3A_32 = arith.addf %dot_general3A_27, %add3A_31 : vector<10000x16xf32>
    %max3A_33 = arith.constant 0.000000e+00 : f32
    %max3A_34 = vector.broadcast %max3A_33 : f32 to vector<10000x16xf32>
    %max3A_35 = arith.maximumf %add3A_32, %max3A_34 : vector<10000x16xf32>
    %reduce_sum3A = arith.constant dense<0.000000e+00> : vector<16xf32>
    %reduce_sum3A_36 = vector.multi_reduction <add>, %max3A_35, %reduce_sum3A [0] : vector<10000x16xf32> to vector<16xf32>
    %div3A = arith.constant 1.000000e+04 : f32
    %div3A_37 = vector.broadcast %div3A : f32 to vector<16xf32>
    %div3A_38 = arith.divf %reduce_sum3A_36, %div3A_37 : vector<16xf32>
    %broadcast_in_dim3A_39 = vector.shape_cast %div3A_38 : vector<16xf32> to vector<1x16xf32>
    %sub3A = vector.broadcast %broadcast_in_dim3A_39 : vector<1x16xf32> to vector<10000x16xf32>
    %sub3A_40 = arith.subf %max3A_35, %sub3A : vector<10000x16xf32>
    %integer_pow3A = arith.mulf %sub3A_40, %sub3A_40 : vector<10000x16xf32>
    %reduce_sum3A_41 = arith.constant dense<0.000000e+00> : vector<16xf32>
    %reduce_sum3A_42 = vector.multi_reduction <add>, %integer_pow3A, %reduce_sum3A_41 [0] : vector<10000x16xf32> to vector<16xf32>
    %div3A_43 = arith.constant 1.000000e+04 : f32
    %div3A_44 = vector.broadcast %div3A_43 : f32 to vector<16xf32>
    %div3A_45 = arith.divf %reduce_sum3A_42, %div3A_44 : vector<16xf32>
    %broadcast_in_dim3A_46 = vector.shape_cast %div3A_38 : vector<16xf32> to vector<1x16xf32>
    %sub3A_47 = vector.broadcast %broadcast_in_dim3A_46 : vector<1x16xf32> to vector<10000x16xf32>
    %sub3A_48 = arith.subf %max3A_35, %sub3A_47 : vector<10000x16xf32>
    %add3A_49 = arith.constant 9.99999974E-6 : f32
    %add3A_50 = vector.broadcast %add3A_49 : f32 to vector<16xf32>
    %add3A_51 = arith.addf %div3A_45, %add3A_50 : vector<16xf32>
    %sqrt3A = math.sqrt %add3A_51 : vector<16xf32>
    %broadcast_in_dim3A_52 = vector.shape_cast %sqrt3A : vector<16xf32> to vector<1x16xf32>
    %div3A_53 = vector.broadcast %broadcast_in_dim3A_52 : vector<1x16xf32> to vector<10000x16xf32>
    %div3A_54 = arith.divf %sub3A_48, %div3A_53 : vector<10000x16xf32>
    %get3A_55 = arith.constant 0 : index
    %get3A_56 = vector.load %arg6[%get3A_55] : memref<16xf32, #tpu.memory_space<vmem>>, vector<16xf32>
    %broadcast_in_dim3A_57 = vector.shape_cast %get3A_56 : vector<16xf32> to vector<1x16xf32>
    %mul3A = vector.broadcast %broadcast_in_dim3A_57 : vector<1x16xf32> to vector<10000x16xf32>
    %mul3A_58 = arith.mulf %div3A_54, %mul3A : vector<10000x16xf32>
    %get3A_59 = arith.constant 0 : index
    %get3A_60 = vector.load %arg7[%get3A_59] : memref<16xf32, #tpu.memory_space<vmem>>, vector<16xf32>
    %broadcast_in_dim3A_61 = vector.shape_cast %get3A_60 : vector<16xf32> to vector<1x16xf32>
    %add3A_62 = vector.broadcast %broadcast_in_dim3A_61 : vector<1x16xf32> to vector<10000x16xf32>
    %add3A_63 = arith.addf %mul3A_58, %add3A_62 : vector<10000x16xf32>
    %get3A_64 = arith.constant 0 : index
    %get3A_65 = vector.load %arg8[%get3A_64] : memref<10000xi32, #tpu.memory_space<vmem>>, vector<10000xi32>
    %broadcast_in_dim3A_66 = vector.shape_cast %get3A_65 : vector<10000xi32> to vector<10000x1xi32>
    %iota3A = tpu.iota {dimensions = array<i32: 1>} : vector<10000x64xi32>
    %eq3A = vector.broadcast %broadcast_in_dim3A_66 : vector<10000x1xi32> to vector<10000x64xi32>
    %eq3A_67 = arith.cmpi eq, %eq3A, %iota3A : vector<10000x64xi32>
    %convert_element_type3A = arith.extui %eq3A_67 : vector<10000x64xi1> to vector<10000x64xi32>
    %convert_element_type3A_68 = arith.sitofp %convert_element_type3A : vector<10000x64xi32> to vector<10000x64xf32>
    %dot_general3A_69 = arith.constant dense<0.000000e+00> : vector<64x16xf32>
    %dot_general3A_70 = tpu.matmul %convert_element_type3A_68, %add3A_63, %dot_general3A_69 {dimension_numbers = #tpu.dot_dimension_numbers<[0], [0], [1], [1], [0, 1, 1, 1], [], []>, precision = #tpu.contract_precision<fp32>, transpose_lhs_hint = false} : vector<10000x64xf32>, vector<10000x16xf32>, vector<64x16xf32> -> vector<64x16xf32>
    %reduce_sum3A_71 = arith.constant dense<0.000000e+00> : vector<64xf32>
    %reduce_sum3A_72 = vector.multi_reduction <add>, %convert_element_type3A_68, %reduce_sum3A_71 [0] : vector<10000x64xf32> to vector<64xf32>
    %max3A_73 = arith.constant 1.000000e+00 : f32
    %max3A_74 = vector.broadcast %max3A_73 : f32 to vector<64xf32>
    %max3A_75 = arith.maximumf %reduce_sum3A_72, %max3A_74 : vector<64xf32>
    %broadcast_in_dim3A_76 = vector.shape_cast %max3A_75 : vector<64xf32> to vector<64x1xf32>
    %div3A_77 = vector.broadcast %broadcast_in_dim3A_76 : vector<64x1xf32> to vector<64x16xf32>
    %div3A_78 = arith.divf %dot_general3A_70, %div3A_77 : vector<64x16xf32>
    %iota3A_79 = tpu.iota {dimensions = array<i32: 0>} : vector<64x16xi32>
    %broadcast_in_dim3A_80 = arith.constant 0xFF800000 : f32
    %broadcast_in_dim3A_81 = vector.broadcast %broadcast_in_dim3A_80 : f32 to vector<64x16xf32>
    %scan3A = arith.constant 0 : i32
    %scan3A_82 = arith.constant 64 : i32
    %scan3A_83 = arith.addi %scan3A, %scan3A_82 : i32
    %scan3A_84 = arith.constant 1 : i32
    %scan3A_85 = scf.for %scan3A_105 = %scan3A to %scan3A_83 step %scan3A_84 iter_args(%scan3A_106 = %broadcast_in_dim3A_81) -> (vector<64x16xf32>)  : i32 {
      %broadcast_in_dim3A_107 = vector.shape_cast %get3A_65 : vector<10000xi32> to vector<10000x1xi32>
      %eq3A_108 = vector.broadcast %scan3A_105 : i32 to vector<10000x1xi32>
      %eq3A_109 = arith.cmpi eq, %broadcast_in_dim3A_107, %eq3A_108 : vector<10000x1xi32>
      %jit3A = arith.constant 0xFF800000 : f32
      %broadcast_in_dim3A_110 = vector.shape_cast %eq3A_109 : vector<10000x1xi1> to vector<10000x1xi1>
      %broadcast_in_dim3A_111 = vector.broadcast %broadcast_in_dim3A_110 : vector<10000x1xi1> to vector<10000x16xi1>
      %broadcast_in_dim3A_112 = vector.broadcast %jit3A : f32 to vector<10000x16xf32>
      %select_n3A = arith.select %broadcast_in_dim3A_111, %add3A_63, %broadcast_in_dim3A_112 : vector<10000x16xi1>, vector<10000x16xf32>
      %reduce_max3A = arith.constant dense<0xFF800000> : vector<16xf32>
      %reduce_max3A_113 = vector.multi_reduction <maximumf>, %select_n3A, %reduce_max3A [0] : vector<10000x16xf32> to vector<16xf32>
      %eq3A_114 = vector.broadcast %scan3A_105 : i32 to vector<64x16xi32>
      %eq3A_115 = arith.cmpi eq, %iota3A_79, %eq3A_114 : vector<64x16xi32>
      %broadcast_in_dim3A_116 = vector.shape_cast %reduce_max3A_113 : vector<16xf32> to vector<1x16xf32>
      %broadcast_in_dim3A_117 = vector.shape_cast %broadcast_in_dim3A_116 : vector<1x16xf32> to vector<1x16xf32>
      %broadcast_in_dim3A_118 = vector.broadcast %broadcast_in_dim3A_117 : vector<1x16xf32> to vector<64x16xf32>
      %select_n3A_119 = arith.select %eq3A_115, %broadcast_in_dim3A_118, %scan3A_106 : vector<64x16xi1>, vector<64x16xf32>
      scf.yield %select_n3A_119 : vector<64x16xf32>
    }
    %scan3A_86 = arith.constant 64 : i32
    %get3A_87 = arith.constant 0 : index
    %get3A_88 = arith.constant 0 : index
    %get3A_89 = vector.load %arg9[%get3A_87, %get3A_88] : memref<32x2xf32, #tpu.memory_space<vmem>>, vector<16x2xf32>
    %dot_general3A_90 = arith.constant dense<0.000000e+00> : vector<64x2xf32>
    %dot_general3A_91 = tpu.matmul %scan3A_85, %get3A_89, %dot_general3A_90 {dimension_numbers = #tpu.dot_dimension_numbers<[1], [0], [0], [1], [0, 0, 1, 1], [], []>, precision = #tpu.contract_precision<fp32>, transpose_lhs_hint = false} : vector<64x16xf32>, vector<16x2xf32>, vector<64x2xf32> -> vector<64x2xf32>
    %get3A_92 = arith.constant 16 : index
    %get3A_93 = arith.constant 0 : index
    %get3A_94 = vector.load %arg9[%get3A_92, %get3A_93] : memref<32x2xf32, #tpu.memory_space<vmem>>, vector<16x2xf32>
    %dot_general3A_95 = arith.constant dense<0.000000e+00> : vector<64x2xf32>
    %dot_general3A_96 = tpu.matmul %div3A_78, %get3A_94, %dot_general3A_95 {dimension_numbers = #tpu.dot_dimension_numbers<[1], [0], [0], [1], [0, 0, 1, 1], [], []>, precision = #tpu.contract_precision<fp32>, transpose_lhs_hint = false} : vector<64x16xf32>, vector<16x2xf32>, vector<64x2xf32> -> vector<64x2xf32>
    %add3A_97 = arith.addf %dot_general3A_91, %dot_general3A_96 : vector<64x2xf32>
    %get3A_98 = arith.constant 0 : index
    %get3A_99 = vector.load %arg10[%get3A_98] : memref<2xf32, #tpu.memory_space<vmem>>, vector<2xf32>
    %broadcast_in_dim3A_100 = vector.shape_cast %get3A_99 : vector<2xf32> to vector<1x2xf32>
    %add3A_101 = vector.broadcast %broadcast_in_dim3A_100 : vector<1x2xf32> to vector<64x2xf32>
    %add3A_102 = arith.addf %add3A_97, %add3A_101 : vector<64x2xf32>
    %swap3A = arith.constant 0 : index
    %swap3A_103 = arith.constant 0 : index
    %swap3A_104 = vector.load %arg11[%swap3A, %swap3A_103] : memref<64x2xf32, #tpu.memory_space<vmem>>, vector<64x2xf32>
    tpu.vector_store %arg11[%swap3A, %swap3A_103], %add3A_102 {strides = array<i32>} : memref<64x2xf32, #tpu.memory_space<vmem>>, vector<64x2xf32>,
    return
  }
}

</mosaic_0001>

<sc_bundles>
// kernel: kernel.10.cloned.1.call-start
scs
__scs_entry_jumppad:
0x0: {  	(pc) =	sbr.rel $0x88, $3  }
0x1: {  	(tag) =	ssettag $0x0;
	lr =	simm.s32 $0x1  }
0x2: {  	[smem:$0x3F90] =	sst lr;
	_ =	strace $0xD0000000  }
0x3: {  	_ = 	snop  }
0x4: {  	_ = 	snop  }
0x5: {  	_ = 	snop  }
0x6: {  	_ = 	snop  }
0x7: {  	_ = 	snop  }
__scs_overlays_trampoline_lowered:
0x8: {  	[smem:$0x3F9F] =	sst s0  }
0x9: {  	[smem:$0x3FA0] =	sst s1  }
0xa: {  	[smem:$0x3FA1] =	sst s2  }
0xb: {  	[smem:$0x3FA2] =	sst s3  }
0xc: {  	[smem:$0x3FA3] =	sst s4  }
0xd: {  	[smem:$0x3FA4] =	sst s5  }
0xe: {  	[smem:$0x3FA5] =	sst s6  }
0xf: {  	[smem:$0x3FA6] =	sst s7  }
0x10: {  	[smem:$0x3FA7] =	sst s8  }
0x11: {  	[smem:$0x3FA8] =	sst s9;
	s0 =	simm.s32 @!p0 $0x0  }
0x12: {  	s1 =	sld [smem:$0x3F8E];
	s0 =	simm.s32 @p0 $0x1  }
0x13: {  	[smem:$0x3FA9] =	sst s0;
	s0 =	simm.s32 @!p1 $0x0  }
0x14: {  	s2 =	sld [smem:$0x3F8D];
	s0 =	simm.s32 @p1 $0x1  }
0x15: {  	[smem:$0x3FAA] =	sst s0;
	s0 =	simm.s32 @!p2 $0x0  }
0x16: {  	s3 =	sld [smem:$0x3FDB];
	s0 =	simm.s32 @p2 $0x1  }
0x17: {  	s4 =	simm.s32 $0x1BF5;
	[smem:$0x3FAC] =	sst s0  }
0x18: {  	s0 =	sld [smem:$0x3F8F];
	_ =	swait.ge [sflag:s4], $0x0  }
0x19: {  	s7 =	sld [smem:$0x3F90]  }
0x1a: {  	s8 =	sadd.s32 $0xFFFFE003, lr  }
0x1b: {  	s9 =	sadd.s32 $0xFFFFFEF7, lr;
	s5 =	simm.s32 $0xFFFFFFFF;
	p2 =	slt.u32 s8, $0xFFFFF086  }
0x1c: {  	p1 =	slt.u32 s9, $0xF7A;
	s5 =	simm.s32 @!p2 $0x0  }
0x1d: {  	s5 =	simm.s32 @p1 $0x1;
	p0 =	seq.s32 s7, s2  }
0x1e: {  	s7 =	smul.u32 @!p0 $0xF7A, s2;
	p2 =	seq.s32 @!p0 s5, $0x0  }
0x1f: {  	s9 =	smul.u32 $0xF7A, s1;
	s8 =	simm.s32 @!p0 $0x1BF5;
	p2 =	por !p2, p0  }
0x20: {  	[sflag:s8] =	ssyncset.s32 @!p0 $0xFFFFF086;
	s6 =	sadd.s32 @!p0 s3, s7;
	s7 =	simm.s32 @!p0 $0x108  }
0x21: {  	s3 =	sadd.s32 s3, s9;
	s6 =	sadd.s32 @!p0 $0x88, s6;
	s7 =	simm.s32 @p2 $0x1082  }
0x22: {  	[simem:s7], [sflag:s8] =	dma.local @!p0 [hbm:s6], $0xF7A  }
0x23: {  	s9 =	sor.u32 $0xD0000000, s2;
	s6 =	simm.s32 $0x108;
	_ =	swait.ge @!p0 [sflag:s8], $0x0  }
0x24: {  	s3 =	sadd.s32 $0x88, s3;
	s6 =	simm.s32 @!p1 $0x1082;
	[sflag:s4] =	ssyncset.s32 $0xFFFFF086  }
0x25: {  	[simem:s6], [sflag:s4] =	dma.local [hbm:s3], $0xF7A  }
0x26: {  	[smem:$0x3F90] =	sst s1;
	(tag) =	ssettag s2;
	_ =	strace s9  }
0x27: {  	s1 =	sld [smem:$0x3FA0]  }
0x28: {  	s2 =	sld [smem:$0x3FA1]  }
0x29: {  	s4 =	sld [smem:$0x3FA3]  }
0x2a: {  	p0 =	seq.s32 s5, $0x0;
	s5 =	sld [smem:$0x3FA4]  }
0x2b: {  	s6 =	sld [smem:$0x3FA5]  }
0x2c: {  	s7 =	sld [smem:$0x3FA6]  }
0x2d: {  	s3 =	simm.s32 $0x108;
	s8 =	sld [smem:$0x3FA7]  }
0x2e: {  	s3 =	simm.s32 @!p0 $0x1082;
	s9 =	sld [smem:$0x3FA8]  }
0x2f: {  	lr =	sadd.s32 s0, s3;
	s0 =	sld [smem:$0x3F9F]  }
0x30: {  	s3 =	sld [smem:$0x3FA2]  }
0x31: {  	[smem:$0x3FAB] =	sst s10  }
0x32: {  	s10 =	sld [smem:$0x3FA9];
	_ =	sdelay $0x3  }
0x33: {  	p0 =	seq.s32 s10, $0x1;
	s10 =	sld [smem:$0x3FAB];
	_ =	sdelay $0x3  }
0x34: {  	[smem:$0x3FAB] =	sst s10  }
0x35: {  	s10 =	sld [smem:$0x3FAA];
	_ =	sdelay $0x3  }
0x36: {  	p1 =	seq.s32 s10, $0x1;
	s10 =	sld [smem:$0x3FAB];
	_ =	sdelay $0x3  }
0x37: {  	[smem:$0x3FAB] =	sst s10  }
0x38: {  	s10 =	sld [smem:$0x3FAC]  }
0x39: {  	_ = 	snop;
	(pc) =	sbr.ind lr, $3  }
0x3a: {  	_ = 	snop  }
0x3b: {  	_ = 	snop  }
0x3c: {  	p2 =	seq.s32 s10, $0x1;
	s10 =	sld [smem:$0x3FAB]  }
0x3d: {  	_ =	shalt  }
0x3e: {  	_ =	shalt  }
0x3f: {  	_ =	shalt  }
0x40: {  	_ =	shalt  }
0x41: {  	_ =	shalt  }
0x42: {  	_ =	shalt  }
0x43: {  	_ =	shalt  }
0x44: {  	_ =	shalt  }
0x45: {  	_ =	shalt  }
0x46: {  	_ =	shalt  }
0x47: {  	_ =	shalt  }
0x48: {  	_ =	shalt  }
0x49: {  	_ =	shalt  }
0x4a: {  	_ =	shalt  }
0x4b: {  	_ =	shalt  }
0x4c: {  	_ =	shalt  }
0x4d: {  	_ =	shalt  }
0x4e: {  	_ =	shalt  }
0x4f: {  	_ =	shalt  }
0x50: {  	_ =	shalt  }
0x51: {  	_ =	shalt  }
0x52: {  	_ =	shalt  }
0x53: {  	_ =	shalt  }
0x54: {  	_ =	shalt  }
0x55: {  	_ =	shalt  }
0x56: {  	_ =	shalt  }
0x57: {  	_ =	shalt  }
0x58: {  	_ =	shalt  }
0x59: {  	_ =	shalt  }
0x5a: {  	_ =	shalt  }
0x5b: {  	_ =	shalt  }
0x5c: {  	_ =	shalt  }
0x5d: {  	_ =	shalt  }
0x5e: {  	_ =	shalt  }
0x5f: {  	_ =	shalt  }
0x60: {  	_ =	shalt  }
0x61: {  	_ =	shalt  }
0x62: {  	_ =	shalt  }
0x63: {  	_ =	shalt  }
0x64: {  	_ =	shalt  }
0x65: {  	_ =	shalt  }
0x66: {  	_ =	shalt  }
0x67: {  	_ =	shalt  }
0x68: {  	_ =	shalt  }
0x69: {  	_ =	shalt  }
0x6a: {  	_ =	shalt  }
0x6b: {  	_ =	shalt  }
0x6c: {  	_ =	shalt  }
0x6d: {  	_ =	shalt  }
0x6e: {  	_ =	shalt  }
0x6f: {  	_ =	shalt  }
0x70: {  	_ =	shalt  }
0x71: {  	_ =	shalt  }
0x72: {  	_ =	shalt  }
0x73: {  	_ =	shalt  }
0x74: {  	_ =	shalt  }
0x75: {  	_ =	shalt  }
0x76: {  	_ =	shalt  }
0x77: {  	_ =	shalt  }
0x78: {  	_ =	shalt  }
0x79: {  	_ =	shalt  }
0x7a: {  	_ =	shalt  }
0x7b: {  	_ =	shalt  }
0x7c: {  	_ =	shalt  }
0x7d: {  	_ =	shalt  }
0x7e: {  	_ =	shalt  }
0x7f: {  	_ =	shalt  }
0x80: {  	_ =	shalt  }
0x81: {  	_ =	shalt  }
0x82: {  	_ =	shalt  }
0x83: {  	_ =	shalt  }
0x84: {  	_ =	shalt  }
0x85: {  	_ =	shalt  }
0x86: {  	_ =	shalt  }
0x87: {  	_ =	shalt  }
.Lfunc_end0:
.L_simem_size_0:
called_computation.1_lowered:
.L_overlay_start_0:
0x88: {  	s2 =	sld [smem:$0x3FD9]  }
0x89: {  	s3 =	sld [smem:$0x3FFE];
	_ =	sdelay $0x1  }
0x8a: {  	s1 =	srdreg.scid  }
0x8b: {  	s0 =	sand.u32 $0x1, s1  }
0x8c: {  	s16 =	sshll.u32 s0, $0xA;
	s2 =	sadd.s32 s3, s2  }
0x8d: {  	s2 =	sadd.s32 s2, s16  }
0x8e: {  	[smem:$0x3FB7] =	sst s2  }
0x8f: {  	_ = 	snop  }
0x90: {  	(tm) =	ssettm $0x1  }
0x91: {  	s17 =	sld [smem:$0x3FFB];
	_ =	sdelay $0x3  }
0x92: {  	_ =	strace s17  }
0x93: {  	s2 =	sld [smem:$0x3FFC];
	_ =	sdelay $0x3  }
0x94: {  	_ =	strace s2  }
0x95: {  	s2 =	sld [smem:$0x3FFD];
	_ =	sdelay $0x3  }
0x96: {  	_ =	strace s2  }
0x97: {  	_ =	strace $0x8FFFFFFF  }
0x98: {  	s18 =	sld [smem:$0x3FDB];
	_ =	sdelay $0x1  }
0x99: {  	s19 =	simm.s32 $_scs_section_size  }
0x9a: {  	s4 =	simm.s32 $_size__tile_overlayer_lowered;
	s5 =	simm.s32 $_tile_overlayer_lowered  }
0x9b: {  	s22 =	simm.s32 $0x1BFF;
	s21 =	sshll.u32 s5, $0x1;
	s2 =	sadd.s32 s19, s18  }
0x9c: {  	s6 =	simm.s32 $0x0;
	s20 =	sshll.u32 s4, $0x1;
	s4 =	sadd.s32 s21, s2  }
0x9d: {  	[timem:s6], [sflag:s22] =	dma.local [hbm:s4], s20  }
0x9e: {  	_ =	swait.ge [sflag:s22], s20  }
0x9f: {  	s3 =	ssub.s32 $0x0, s20;
	[sflag:s22] =	ssyncset.done $0x0  }
0xa0: {  	[sflag:s22] =	ssyncadd.s32 s3;
	_ =	sdelay $0x1  }
0xa1: {  	s23 =	simm.s32 $0x1B8B  }
0xa2: {  	_ =	swait.ge [sflag:s23], $0x1  }
0xa3: {  	[sflag:s23] =	ssyncset.done $0x0  }
0xa4: {  	s25 =	simm.s32 $0x1B8E;
	s24 =	sld [smem:$0x3FFE];
	[sflag:s23] =	ssyncadd.s32 $0xFFFFFFFF  }
0xa5: {  	s26 =	simm.s32 $execute0_lowered;
	[smem:$0x3FD2] =	sst s25  }
0xa6: {  	s4 =	sshll.u32 s26, $0x1;
	_ =	strace $0x80000049;
	[dreg:$0x1] =	wrdreg $0xFFFFFFFF  }
0xa7: {  	s28 =	simm.s32 $_size_execute0_lowered;
	s2 =	sadd.s32 s2, s4;
	[dreg:$0x0] =	wrdreg $0x0  }
0xa8: {  	s4 =	sshll.u32 s28, $0x1;
	[dreg:$0x2] =	wrdreg s2  }
0xa9: {  	[dreg:$0x3] =	wrdreg s4  }
0xaa: {  	[dreg:$0x4] =	wrdreg $0xC0  }
0xab: {  	_ =	task [dreg:s6], $0x5FFFF  }
0xac: {  	[dreg:$0x1] =	wrdreg $0xFFFFFFFF  }
0xad: {  	[dreg:$0x0] =	wrdreg $0x60  }
0xae: {  	[dreg:$0x2] =	wrdreg s24  }
0xaf: {  	[dreg:$0x3] =	wrdreg $0x50A00  }
0xb0: {  	[dreg:$0x4] =	wrdreg $0x9  }
0xb1: {  	_ =	task.clear_ibuf [dreg:s6], $0x5FFFF;
	_ =	strace $0x90000049  }
0xb2: {  	s29 =	simm.s32 $0x9;
	_ =	strace $0x8000004B  }
0xb3: {  	_ =	swait.ge [sflag:s29], $0x1  }
0xb4: {  	[sflag:s29] =	ssyncadd.s32 $0xFFFFFFFF  }
0xb5: {  	_ =	strace $0x9000004B  }
0xb6: {  	_ =	sfence  }
0xb7: {  	s30 =	sld [smem:$0x0];
	_ =	sdelay $0x2  }
0xb8: {  	s31 =	sshll.u32 s1, $0xD;
	s1 =	sshrl.u32 s1, $0x2  }
0xb9: {  	s3 =	sand.u32 $0x4000, s31;
	s1 =	sadd.s32 s1, s30  }
0xba: {  	s0 =	sor.u32 s3, s0;
	s1 =	sshll.u32 s1, $0x11  }
0xbb: {  	s0 =	sor.u32 s1, s0  }
0xbc: {  	s0 =	sadd.s32 $0x8F2B, s0  }
0xbd: {  	[sflag:s0] =	ssyncadd.remote.s32 $0x1  }
0xbe: {  	_ =	sfence.sel $0xFFFF  }
0xbf: {  	[dreg:$0x0] =	wrdreg $0xFFFFFFFF;
	(pc) =	sbr.abs _section_cstart, $3  }
0xc0: {  	[dreg:$0x1] =	wrdreg $0xFFFFFFFF  }
0xc1: {  	_ =	task.clear_ibuf [dreg:s6], $0x2FFFF;
	_ =	strace $0x9FFFFFFF  }
0xc2: {  	(tm) =	ssettm $0x7FFFFFFF  }
0xc3: {  	_ =	shalt  }
tec
execute0_lowered:
.L_overlay_start_1:
0x0: {  	(tag) =	ssettag $0x1  }
0x1: {  	s0 =	srdreg.scid;
	s5 =	rddreg [dreg:$0x0]  }
0x2: {  	s1 =	rddreg [dreg:$0x1];
	s7 =	stileid.u32;
	s2 =	simm.s32 $0x0  }
0x3: {  	s12 =	simm.s32 $0x50;
	s13 =	simm.s32 $0x4E20;
	s14 =	simm.s32 $0x1  }
0x4: {  	s15 =	simm.s32 $0x0;
	s3 =	sand.u32 $0x1, s0;
	s0 =	rddreg [dreg:$0x2]  }
0x5: {  	[smem:$0x7FF] =	sst s2;
	p0 =	sne.s32 s7, $0x0;
	s4 =	sshll.u32 s3, $0x4  }
0x6: {  	_ =	strace $0x8000004A;
	s6 =	smul.u32 $0x2710, s3;
	s8 =	ssub.s32 $0x2, s3  }
0x7: {  	s3 =	sadd.s32 $0x15C00, s5;
	s4 =	sor.u32 s7, s4;
	s10 =	sshrl.u32 s8, $0x1  }
0x8: {  	s4 =	smul.u32 $0x4E2, s4;
	s11 =	sadd.s32 s6, s5;
	s8 =	ssub.s32 s8, s10  }
0x9: {  	s10 =	simm.s32 $0x2;
	s7 =	sadd.s32 $0x1AC00, s11;
	s8 =	smax.u32 s8, $0x1  }
0xa: {  	s11 =	simm.s32 $0x2710;
	s9 =	sadd.s32 s4, s5;
	s4 =	sadd.s32 $0x18400, s5  }
0xb: {  	s5 =	sadd.s32 $0xBE00, s9;
	s6 =	sadd.s32 $0x2000, s9;
	s9 =	sshrl.u32 @!p0 s1, $0x3  }
.LBB2_1:
0xc: {  	s16 =	simm.s32 @!p0 $0x1C02  }
0xd: {  	[spmem:s9], [sflag:s16] =	dma.local @!p0 [hbm:s4], $0x2710  }
0xe: {  	s16 =	simm.s32 @!p0 $0x2  }
0xf: {  	_ =	swait.ge @!p0 [sflag:s16], $0x2710  }
0x10: {  	[sflag:s16] =	ssyncset.done @!p0 $0x0  }
0x11: {  	[sflag:s16] =	ssyncadd.s32 @!p0 $0xFFFFD8F0  }
0x12: {  	[bflag:$0x0] =	sbarrier.arrive $0xFFFF  }
0x13: {  	[tilespmem:s2], [sflag:$0x2] =	stream.linear.gather [hbm4b:s5+s2], $0x2710, $0x38;
	[tilespmem:$0x6428] =	vst v63  }
0x14: {  	_ =	swait.ge [sflag:s10], $0x2710  }
0x15: {  	[sflag:s10] =	ssyncset.done $0x0  }
0x16: {  	[sflag:s10] =	ssyncadd.s32 $0xFFFFD8F0  }
0x17: {  	[tilespmem:s11], [sflag:$0x2] =	stream.linear.gather [hbm4b:s6+s2], $0x2710, $0x38;
	[tilespmem:$0x6428] =	vst v63  }
0x18: {  	_ =	swait.ge [sflag:s10], $0x2710  }
0x19: {  	[sflag:s10] =	ssyncset.done $0x0  }
0x1a: {  	s30 =	simm.s32 $0x0;
	[sflag:s10] =	ssyncadd.s32 $0xFFFFD8F0  }
0x1b: {  	[tilespmem:s13], [sflag:$0x1] =	stream.indirect.gather [hbm4b:s3+s12], $0x8, s30, s12, $0xb8;
	[tilespmem:$0x6428] =	vst v63  }
0x1c: {  	_ =	swait.ge [sflag:s14], $0x280  }
0x1d: {  	[sflag:s14] =	ssyncset.done $0x0  }
0x1e: {  	s31 =	simm.s32 $0x2710;
	[sflag:s14] =	ssyncadd.s32 $0xFFFFFD80  }
0x1f: {  	[spmem:s1] =	stream.indirect.scatter.add.f32 [tilespmem:s13], [sflag:$0x2], $0x8, s31, s12, $0xb8;
	[tilespmem:$0x6428] =	vst v63  }
0x20: {  	_ =	swait.ge [sflag:s10], $0x280  }
0x21: {  	s17 =	simm.s32 $0x280;
	s16 =	simm.s32 $0x140;
	[sflag:s10] =	ssyncset.done $0x0  }
.LBB2_2:
0x22: {  	s18 =	sshra.s32 s16, $0x2  }
0x23: {  	[sflag:s10] =	ssyncadd.s32 $0xFFFFFD80;
	s16 =	smov.u32 s17;
	s19 =	sadd.s32 $0x140, s17  }
0x24: {  	[tilespmem:s13], [sflag:$0x1] =	stream.indirect.gather [hbm4b:s3+s12], $0x8, s18, s12, $0xb8;
	[tilespmem:$0x6428] =	vst v63  }
0x25: {  	p1 =	sne.s32 s17, $0x9B00;
	_ =	swait.ge [sflag:s14], $0x280  }
.Ltmp0:
0x26: {  	[sflag:s14] =	ssyncset.done $0x0;
	(pc) =	sbr.rel @p1 .LBB2_2-.Ltmp0, $4  }
0x27: {  	s17 =	sadd.s32 $0x2710, s18;
	[sflag:s14] =	ssyncadd.s32 $0xFFFFFD80  }
0x28: {  	[spmem:s1] =	stream.indirect.scatter.add.f32 [tilespmem:s13], [sflag:$0x2], $0x8, s17, s12, $0xb8;
	[tilespmem:$0x6428] =	vst v63  }
0x29: {  	_ =	swait.ge [sflag:s10], $0x280  }
0x2a: {  	s17 =	smov.u32 s19;
	[sflag:s10] =	ssyncset.done $0x0  }
0x2b: {  	s16 =	sshra.s32 s16, $0x2;
	[sflag:s10] =	ssyncadd.s32 $0xFFFFFD80  }
0x2c: {  	[tilespmem:s13], [sflag:$0x1] =	stream.indirect.gather [hbm4b:s3+s12], $0x8, s16, s12, $0xb8;
	[tilespmem:$0x6428] =	vst v63  }
0x2d: {  	_ =	swait.ge [sflag:s14], $0x280  }
0x2e: {  	[sflag:s14] =	ssyncset.done $0x0  }
0x2f: {  	s16 =	sadd.s32 $0x2710, s16;
	[sflag:s14] =	ssyncadd.s32 $0xFFFFFD80  }
0x30: {  	[spmem:s1] =	stream.indirect.scatter.add.f32 [tilespmem:s13], [sflag:$0x2], $0x8, s16, s12, $0xb8;
	[tilespmem:$0x6428] =	vst v63  }
0x31: {  	_ =	swait.ge [sflag:s10], $0x280  }
0x32: {  	[sflag:s10] =	ssyncset.done $0x0  }
0x33: {  	s15 =	sadd.s32 $0x1, s15;
	[sflag:s10] =	ssyncadd.s32 $0xFFFFFD80  }
0x34: {  	p1 =	sne.s32 s15, s8;
	s16 =	simm.s32 @!p0 $0x1C02;
	[bflag:$0x0] =	sbarrier.arrive $0xFFFF  }
0x35: {  	[hbm:s7], [sflag:s16] =	dma.local @!p0 [spmem:s9], $0x2710  }
.Ltmp1:
0x36: {  	_ = 	snop;
	(pc) =	sbr.rel @p1 .LBB2_1-.Ltmp1, $4  }
0x37: {  	s16 =	simm.s32 @!p0 $0x2  }
0x38: {  	_ =	swait.ge @!p0 [sflag:s16], $0x2710  }
0x39: {  	[sflag:s16] =	ssyncset.done @!p0 $0x0  }
0x3a: {  	[sflag:s16] =	ssyncadd.s32 @!p0 $0xFFFFD8F0  }
0x3b: {  	_ =	sfence.sel $0x180000  }
0x3c: {  	[bflag:$0x0] =	sbarrier.arrive $0xFFFF  }
0x3d: {  	_ =	strace $0x9000004A  }
0x3e: {  	s0 =	sadd.s32 @!p0 $0x100000, s0;
	[bflag:$0x2] =	sbarrier.arrive $0xFFFF  }
0x3f: {  	[sflag:s0] =	ssyncadd.tile.s32 @!p0 $0x1;
	_ =	shalt  }
.Lfunc_end2:
_tile_overlayer_lowered:
.L_overlay_start_2:
0x40: {  	(tag) =	ssettag $0x2  }
0x41: {  	s0 =	rddreg [dreg:$0x0];
	s2 =	stileid.u32  }
0x42: {  	s1 =	rddreg [dreg:$0x1];
	p0 =	sne.s32 s2, $0x0  }
0x43: {  	s3 =	rddreg [dreg:$0x2];
	[bflag:$0x3] =	sbarrier.arrive $0xFFFF;
	s2 =	simm.s32 @!p0 $0x1C02  }
0x44: {  	[timem:s3], [sflag:s2] =	dma.local @!p0 [hbm:s0], s1  }
0x45: {  	s0 =	simm.s32 @!p0 $0x2  }
0x46: {  	_ =	swait.ge @!p0 [sflag:s0], s1  }
0x47: {  	s1 =	ssub.s32 @!p0 $0x0, s1;
	[sflag:s0] =	ssyncset.done @!p0 $0x0  }
0x48: {  	[sflag:s0] =	ssyncadd.s32 @!p0 s1  }
0x49: {  	[bflag:$0x3] =	sbarrier.arrive $0xFFFF  }
0x4a: {  	_ =	shalt  }

// kernel: kernel.7.cloned.1.call-start
scs
__scs_entry_jumppad:
0x0: {  	(pc) =	sbr.rel $0x88, $3  }
0x1: {  	(tag) =	ssettag $0x0;
	lr =	simm.s32 $0x1  }
0x2: {  	[smem:$0x3F90] =	sst lr;
	_ =	strace $0xD0000000  }
0x3: {  	_ = 	snop  }
0x4: {  	_ = 	snop  }
0x5: {  	_ = 	snop  }
0x6: {  	_ = 	snop  }
0x7: {  	_ = 	snop  }
__scs_overlays_trampoline_lowered:
0x8: {  	[smem:$0x3F9F] =	sst s0  }
0x9: {  	[smem:$0x3FA0] =	sst s1  }
0xa: {  	[smem:$0x3FA1] =	sst s2  }
0xb: {  	[smem:$0x3FA2] =	sst s3  }
0xc: {  	[smem:$0x3FA3] =	sst s4  }
0xd: {  	[smem:$0x3FA4] =	sst s5  }
0xe: {  	[smem:$0x3FA5] =	sst s6  }
0xf: {  	[smem:$0x3FA6] =	sst s7  }
0x10: {  	[smem:$0x3FA7] =	sst s8  }
0x11: {  	[smem:$0x3FA8] =	sst s9;
	s0 =	simm.s32 @!p0 $0x0  }
0x12: {  	s1 =	sld [smem:$0x3F8E];
	s0 =	simm.s32 @p0 $0x1  }
0x13: {  	[smem:$0x3FA9] =	sst s0;
	s0 =	simm.s32 @!p1 $0x0  }
0x14: {  	s2 =	sld [smem:$0x3F8D];
	s0 =	simm.s32 @p1 $0x1  }
0x15: {  	[smem:$0x3FAA] =	sst s0;
	s0 =	simm.s32 @!p2 $0x0  }
0x16: {  	s3 =	sld [smem:$0x3FDB];
	s0 =	simm.s32 @p2 $0x1  }
0x17: {  	s4 =	simm.s32 $0x1BF5;
	[smem:$0x3FAC] =	sst s0  }
0x18: {  	s0 =	sld [smem:$0x3F8F];
	_ =	swait.ge [sflag:s4], $0x0  }
0x19: {  	s7 =	sld [smem:$0x3F90]  }
0x1a: {  	s8 =	sadd.s32 $0xFFFFE003, lr  }
0x1b: {  	s9 =	sadd.s32 $0xFFFFFEF7, lr;
	s5 =	simm.s32 $0xFFFFFFFF;
	p2 =	slt.u32 s8, $0xFFFFF086  }
0x1c: {  	p1 =	slt.u32 s9, $0xF7A;
	s5 =	simm.s32 @!p2 $0x0  }
0x1d: {  	s5 =	simm.s32 @p1 $0x1;
	p0 =	seq.s32 s7, s2  }
0x1e: {  	s7 =	smul.u32 @!p0 $0xF7A, s2;
	p2 =	seq.s32 @!p0 s5, $0x0  }
0x1f: {  	s9 =	smul.u32 $0xF7A, s1;
	s8 =	simm.s32 @!p0 $0x1BF5;
	p2 =	por !p2, p0  }
0x20: {  	[sflag:s8] =	ssyncset.s32 @!p0 $0xFFFFF086;
	s6 =	sadd.s32 @!p0 s3, s7;
	s7 =	simm.s32 @!p0 $0x108  }
0x21: {  	s3 =	sadd.s32 s3, s9;
	s6 =	sadd.s32 @!p0 $0x88, s6;
	s7 =	simm.s32 @p2 $0x1082  }
0x22: {  	[simem:s7], [sflag:s8] =	dma.local @!p0 [hbm:s6], $0xF7A  }
0x23: {  	s9 =	sor.u32 $0xD0000000, s2;
	s6 =	simm.s32 $0x108;
	_ =	swait.ge @!p0 [sflag:s8], $0x0  }
0x24: {  	s3 =	sadd.s32 $0x88, s3;
	s6 =	simm.s32 @!p1 $0x1082;
	[sflag:s4] =	ssyncset.s32 $0xFFFFF086  }
0x25: {  	[simem:s6], [sflag:s4] =	dma.local [hbm:s3], $0xF7A  }
0x26: {  	[smem:$0x3F90] =	sst s1;
	(tag) =	ssettag s2;
	_ =	strace s9  }
0x27: {  	s1 =	sld [smem:$0x3FA0]  }
0x28: {  	s2 =	sld [smem:$0x3FA1]  }
0x29: {  	s4 =	sld [smem:$0x3FA3]  }
0x2a: {  	p0 =	seq.s32 s5, $0x0;
	s5 =	sld [smem:$0x3FA4]  }
0x2b: {  	s6 =	sld [smem:$0x3FA5]  }
0x2c: {  	s7 =	sld [smem:$0x3FA6]  }
0x2d: {  	s3 =	simm.s32 $0x108;
	s8 =	sld [smem:$0x3FA7]  }
0x2e: {  	s3 =	simm.s32 @!p0 $0x1082;
	s9 =	sld [smem:$0x3FA8]  }
0x2f: {  	lr =	sadd.s32 s0, s3;
	s0 =	sld [smem:$0x3F9F]  }
0x30: {  	s3 =	sld [smem:$0x3FA2]  }
0x31: {  	[smem:$0x3FAB] =	sst s10  }
0x32: {  	s10 =	sld [smem:$0x3FA9];
	_ =	sdelay $0x3  }
0x33: {  	p0 =	seq.s32 s10, $0x1;
	s10 =	sld [smem:$0x3FAB];
	_ =	sdelay $0x3  }
0x34: {  	[smem:$0x3FAB] =	sst s10  }
0x35: {  	s10 =	sld [smem:$0x3FAA];
	_ =	sdelay $0x3  }
0x36: {  	p1 =	seq.s32 s10, $0x1;
	s10 =	sld [smem:$0x3FAB];
	_ =	sdelay $0x3  }
0x37: {  	[smem:$0x3FAB] =	sst s10  }
0x38: {  	s10 =	sld [smem:$0x3FAC]  }
0x39: {  	_ = 	snop;
	(pc) =	sbr.ind lr, $3  }
0x3a: {  	_ = 	snop  }
0x3b: {  	_ = 	snop  }
0x3c: {  	p2 =	seq.s32 s10, $0x1;
	s10 =	sld [smem:$0x3FAB]  }
0x3d: {  	_ =	shalt  }
0x3e: {  	_ =	shalt  }
0x3f: {  	_ =	shalt  }
0x40: {  	_ =	shalt  }
0x41: {  	_ =	shalt  }
0x42: {  	_ =	shalt  }
0x43: {  	_ =	shalt  }
0x44: {  	_ =	shalt  }
0x45: {  	_ =	shalt  }
0x46: {  	_ =	shalt  }
0x47: {  	_ =	shalt  }
0x48: {  	_ =	shalt  }
0x49: {  	_ =	shalt  }
0x4a: {  	_ =	shalt  }
0x4b: {  	_ =	shalt  }
0x4c: {  	_ =	shalt  }
0x4d: {  	_ =	shalt  }
0x4e: {  	_ =	shalt  }
0x4f: {  	_ =	shalt  }
0x50: {  	_ =	shalt  }
0x51: {  	_ =	shalt  }
0x52: {  	_ =	shalt  }
0x53: {  	_ =	shalt  }
0x54: {  	_ =	shalt  }
0x55: {  	_ =	shalt  }
0x56: {  	_ =	shalt  }
0x57: {  	_ =	shalt  }
0x58: {  	_ =	shalt  }
0x59: {  	_ =	shalt  }
0x5a: {  	_ =	shalt  }
0x5b: {  	_ =	shalt  }
0x5c: {  	_ =	shalt  }
0x5d: {  	_ =	shalt  }
0x5e: {  	_ =	shalt  }
0x5f: {  	_ =	shalt  }
0x60: {  	_ =	shalt  }
0x61: {  	_ =	shalt  }
0x62: {  	_ =	shalt  }
0x63: {  	_ =	shalt  }
0x64: {  	_ =	shalt  }
0x65: {  	_ =	shalt  }
0x66: {  	_ =	shalt  }
0x67: {  	_ =	shalt  }
0x68: {  	_ =	shalt  }
0x69: {  	_ =	shalt  }
0x6a: {  	_ =	shalt  }
0x6b: {  	_ =	shalt  }
0x6c: {  	_ =	shalt  }
0x6d: {  	_ =	shalt  }
0x6e: {  	_ =	shalt  }
0x6f: {  	_ =	shalt  }
0x70: {  	_ =	shalt  }
0x71: {  	_ =	shalt  }
0x72: {  	_ =	shalt  }
0x73: {  	_ =	shalt  }
0x74: {  	_ =	shalt  }
0x75: {  	_ =	shalt  }
0x76: {  	_ =	shalt  }
0x77: {  	_ =	shalt  }
0x78: {  	_ =	shalt  }
0x79: {  	_ =	shalt  }
0x7a: {  	_ =	shalt  }
0x7b: {  	_ =	shalt  }
0x7c: {  	_ =	shalt  }
0x7d: {  	_ =	shalt  }
0x7e: {  	_ =	shalt  }
0x7f: {  	_ =	shalt  }
0x80: {  	_ =	shalt  }
0x81: {  	_ =	shalt  }
0x82: {  	_ =	shalt  }
0x83: {  	_ =	shalt  }
0x84: {  	_ =	shalt  }
0x85: {  	_ =	shalt  }
0x86: {  	_ =	shalt  }
0x87: {  	_ =	shalt  }
.Lfunc_end0:
.L_simem_size_0:
called_computation_lowered:
.L_overlay_start_0:
0x88: {  	s2 =	sld [smem:$0x3FD9]  }
0x89: {  	s3 =	sld [smem:$0x3FFE];
	_ =	sdelay $0x1  }
0x8a: {  	s1 =	srdreg.scid  }
0x8b: {  	s0 =	sand.u32 $0x1, s1  }
0x8c: {  	s16 =	sshll.u32 s0, $0xA;
	s2 =	sadd.s32 s3, s2  }
0x8d: {  	s2 =	sadd.s32 s2, s16  }
0x8e: {  	[smem:$0x3FB7] =	sst s2  }
0x8f: {  	_ = 	snop  }
0x90: {  	(tm) =	ssettm $0x1  }
0x91: {  	s17 =	sld [smem:$0x3FFB];
	_ =	sdelay $0x3  }
0x92: {  	_ =	strace s17  }
0x93: {  	s2 =	sld [smem:$0x3FFC];
	_ =	sdelay $0x3  }
0x94: {  	_ =	strace s2  }
0x95: {  	s2 =	sld [smem:$0x3FFD];
	_ =	sdelay $0x3  }
0x96: {  	_ =	strace s2  }
0x97: {  	_ =	strace $0x8FFFFFFF  }
0x98: {  	s18 =	sld [smem:$0x3FDB];
	_ =	sdelay $0x1  }
0x99: {  	s19 =	simm.s32 $_scs_section_size  }
0x9a: {  	s4 =	simm.s32 $_size__tile_overlayer_lowered;
	s5 =	simm.s32 $_tile_overlayer_lowered  }
0x9b: {  	s22 =	simm.s32 $0x1BFF;
	s21 =	sshll.u32 s5, $0x1;
	s2 =	sadd.s32 s19, s18  }
0x9c: {  	s6 =	simm.s32 $0x0;
	s20 =	sshll.u32 s4, $0x1;
	s4 =	sadd.s32 s21, s2  }
0x9d: {  	[timem:s6], [sflag:s22] =	dma.local [hbm:s4], s20  }
0x9e: {  	_ =	swait.ge [sflag:s22], s20  }
0x9f: {  	s3 =	ssub.s32 $0x0, s20;
	[sflag:s22] =	ssyncset.done $0x0  }
0xa0: {  	[sflag:s22] =	ssyncadd.s32 s3;
	_ =	sdelay $0x1  }
0xa1: {  	s23 =	simm.s32 $0x1B8B  }
0xa2: {  	_ =	swait.ge [sflag:s23], $0x1  }
0xa3: {  	[sflag:s23] =	ssyncset.done $0x0  }
0xa4: {  	s25 =	simm.s32 $0x1B8E;
	s24 =	sld [smem:$0x3FFE];
	[sflag:s23] =	ssyncadd.s32 $0xFFFFFFFF  }
0xa5: {  	s26 =	simm.s32 $execute0_lowered;
	[smem:$0x3FD2] =	sst s25  }
0xa6: {  	s4 =	sshll.u32 s26, $0x1;
	_ =	strace $0x80000046;
	[dreg:$0x1] =	wrdreg $0xFFFFFFFF  }
0xa7: {  	s28 =	simm.s32 $_size_execute0_lowered;
	s2 =	sadd.s32 s2, s4;
	[dreg:$0x0] =	wrdreg $0x0  }
0xa8: {  	s4 =	sshll.u32 s28, $0x1;
	[dreg:$0x2] =	wrdreg s2  }
0xa9: {  	[dreg:$0x3] =	wrdreg s4  }
0xaa: {  	[dreg:$0x4] =	wrdreg $0xC0  }
0xab: {  	_ =	task [dreg:s6], $0x5FFFF  }
0xac: {  	[dreg:$0x1] =	wrdreg $0xFFFFFFFF  }
0xad: {  	[dreg:$0x0] =	wrdreg $0x60  }
0xae: {  	[dreg:$0x2] =	wrdreg s24  }
0xaf: {  	[dreg:$0x3] =	wrdreg $0x50A00  }
0xb0: {  	[dreg:$0x4] =	wrdreg $0x9  }
0xb1: {  	_ =	task.clear_ibuf [dreg:s6], $0x5FFFF;
	_ =	strace $0x90000046  }
0xb2: {  	s29 =	simm.s32 $0x9;
	_ =	strace $0x80000048  }
0xb3: {  	_ =	swait.ge [sflag:s29], $0x1  }
0xb4: {  	[sflag:s29] =	ssyncadd.s32 $0xFFFFFFFF  }
0xb5: {  	_ =	strace $0x90000048  }
0xb6: {  	_ =	sfence  }
0xb7: {  	s30 =	sld [smem:$0x0];
	_ =	sdelay $0x2  }
0xb8: {  	s31 =	sshll.u32 s1, $0xD;
	s1 =	sshrl.u32 s1, $0x2  }
0xb9: {  	s3 =	sand.u32 $0x4000, s31;
	s1 =	sadd.s32 s1, s30  }
0xba: {  	s0 =	sor.u32 s3, s0;
	s1 =	sshll.u32 s1, $0x11  }
0xbb: {  	s0 =	sor.u32 s1, s0  }
0xbc: {  	s0 =	sadd.s32 $0x8F2B, s0  }
0xbd: {  	[sflag:s0] =	ssyncadd.remote.s32 $0x1  }
0xbe: {  	_ =	sfence.sel $0xFFFF  }
0xbf: {  	[dreg:$0x0] =	wrdreg $0xFFFFFFFF;
	(pc) =	sbr.abs _section_cstart, $3  }
0xc0: {  	[dreg:$0x1] =	wrdreg $0xFFFFFFFF  }
0xc1: {  	_ =	task.clear_ibuf [dreg:s6], $0x2FFFF;
	_ =	strace $0x9FFFFFFF  }
0xc2: {  	(tm) =	ssettm $0x7FFFFFFF  }
0xc3: {  	_ =	shalt  }
tec
execute0_lowered:
.L_overlay_start_1:
0x0: {  	(tag) =	ssettag $0x1  }
0x1: {  	s0 =	srdreg.scid;
	s5 =	rddreg [dreg:$0x0]  }
0x2: {  	s1 =	rddreg [dreg:$0x1];
	s7 =	stileid.u32;
	s2 =	simm.s32 $0x0  }
0x3: {  	s12 =	simm.s32 $0x50;
	s13 =	simm.s32 $0x4E20;
	s14 =	simm.s32 $0x1  }
0x4: {  	s15 =	simm.s32 $0x0;
	s3 =	sand.u32 $0x1, s0;
	s0 =	rddreg [dreg:$0x2]  }
0x5: {  	[smem:$0x7FF] =	sst s2;
	p0 =	sne.s32 s7, $0x0;
	s4 =	sshll.u32 s3, $0x4  }
0x6: {  	_ =	strace $0x80000047;
	s6 =	smul.u32 $0x2710, s3;
	s8 =	ssub.s32 $0x2, s3  }
0x7: {  	s3 =	sadd.s32 $0x15C00, s5;
	s4 =	sor.u32 s7, s4;
	s10 =	sshrl.u32 s8, $0x1  }
0x8: {  	s4 =	smul.u32 $0x4E2, s4;
	s11 =	sadd.s32 s6, s5;
	s8 =	ssub.s32 s8, s10  }
0x9: {  	s10 =	simm.s32 $0x2;
	s7 =	sadd.s32 $0x1AC00, s11;
	s8 =	smax.u32 s8, $0x1  }
0xa: {  	s11 =	simm.s32 $0x2710;
	s9 =	sadd.s32 s4, s5;
	s4 =	sadd.s32 $0x18400, s5  }
0xb: {  	s5 =	sadd.s32 $0xBE00, s9;
	s6 =	sadd.s32 $0x2000, s9;
	s9 =	sshrl.u32 @!p0 s1, $0x3  }
.LBB2_1:
0xc: {  	s16 =	simm.s32 @!p0 $0x1C02  }
0xd: {  	[spmem:s9], [sflag:s16] =	dma.local @!p0 [hbm:s4], $0x2710  }
0xe: {  	s16 =	simm.s32 @!p0 $0x2  }
0xf: {  	_ =	swait.ge @!p0 [sflag:s16], $0x2710  }
0x10: {  	[sflag:s16] =	ssyncset.done @!p0 $0x0  }
0x11: {  	[sflag:s16] =	ssyncadd.s32 @!p0 $0xFFFFD8F0  }
0x12: {  	[bflag:$0x0] =	sbarrier.arrive $0xFFFF  }
0x13: {  	[tilespmem:s2], [sflag:$0x2] =	stream.linear.gather [hbm4b:s5+s2], $0x2710, $0x38;
	[tilespmem:$0x6428] =	vst v63  }
0x14: {  	_ =	swait.ge [sflag:s10], $0x2710  }
0x15: {  	[sflag:s10] =	ssyncset.done $0x0  }
0x16: {  	[sflag:s10] =	ssyncadd.s32 $0xFFFFD8F0  }
0x17: {  	[tilespmem:s11], [sflag:$0x2] =	stream.linear.gather [hbm4b:s6+s2], $0x2710, $0x38;
	[tilespmem:$0x6428] =	vst v63  }
0x18: {  	_ =	swait.ge [sflag:s10], $0x2710  }
0x19: {  	[sflag:s10] =	ssyncset.done $0x0  }
0x1a: {  	s30 =	simm.s32 $0x0;
	[sflag:s10] =	ssyncadd.s32 $0xFFFFD8F0  }
0x1b: {  	[tilespmem:s13], [sflag:$0x1] =	stream.indirect.gather [hbm4b:s3+s12], $0x8, s30, s12, $0xb8;
	[tilespmem:$0x6428] =	vst v63  }
0x1c: {  	_ =	swait.ge [sflag:s14], $0x280  }
0x1d: {  	[sflag:s14] =	ssyncset.done $0x0  }
0x1e: {  	s31 =	simm.s32 $0x2710;
	[sflag:s14] =	ssyncadd.s32 $0xFFFFFD80  }
0x1f: {  	[spmem:s1] =	stream.indirect.scatter.add.f32 [tilespmem:s13], [sflag:$0x2], $0x8, s31, s12, $0xb8;
	[tilespmem:$0x6428] =	vst v63  }
0x20: {  	_ =	swait.ge [sflag:s10], $0x280  }
0x21: {  	s17 =	simm.s32 $0x280;
	s16 =	simm.s32 $0x140;
	[sflag:s10] =	ssyncset.done $0x0  }
.LBB2_2:
0x22: {  	s18 =	sshra.s32 s16, $0x2  }
0x23: {  	[sflag:s10] =	ssyncadd.s32 $0xFFFFFD80;
	s16 =	smov.u32 s17;
	s19 =	sadd.s32 $0x140, s17  }
0x24: {  	[tilespmem:s13], [sflag:$0x1] =	stream.indirect.gather [hbm4b:s3+s12], $0x8, s18, s12, $0xb8;
	[tilespmem:$0x6428] =	vst v63  }
0x25: {  	p1 =	sne.s32 s17, $0x9B00;
	_ =	swait.ge [sflag:s14], $0x280  }
.Ltmp0:
0x26: {  	[sflag:s14] =	ssyncset.done $0x0;
	(pc) =	sbr.rel @p1 .LBB2_2-.Ltmp0, $4  }
0x27: {  	s17 =	sadd.s32 $0x2710, s18;
	[sflag:s14] =	ssyncadd.s32 $0xFFFFFD80  }
0x28: {  	[spmem:s1] =	stream.indirect.scatter.add.f32 [tilespmem:s13], [sflag:$0x2], $0x8, s17, s12, $0xb8;
	[tilespmem:$0x6428] =	vst v63  }
0x29: {  	_ =	swait.ge [sflag:s10], $0x280  }
0x2a: {  	s17 =	smov.u32 s19;
	[sflag:s10] =	ssyncset.done $0x0  }
0x2b: {  	s16 =	sshra.s32 s16, $0x2;
	[sflag:s10] =	ssyncadd.s32 $0xFFFFFD80  }
0x2c: {  	[tilespmem:s13], [sflag:$0x1] =	stream.indirect.gather [hbm4b:s3+s12], $0x8, s16, s12, $0xb8;
	[tilespmem:$0x6428] =	vst v63  }
0x2d: {  	_ =	swait.ge [sflag:s14], $0x280  }
0x2e: {  	[sflag:s14] =	ssyncset.done $0x0  }
0x2f: {  	s16 =	sadd.s32 $0x2710, s16;
	[sflag:s14] =	ssyncadd.s32 $0xFFFFFD80  }
0x30: {  	[spmem:s1] =	stream.indirect.scatter.add.f32 [tilespmem:s13], [sflag:$0x2], $0x8, s16, s12, $0xb8;
	[tilespmem:$0x6428] =	vst v63  }
0x31: {  	_ =	swait.ge [sflag:s10], $0x280  }
0x32: {  	[sflag:s10] =	ssyncset.done $0x0  }
0x33: {  	s15 =	sadd.s32 $0x1, s15;
	[sflag:s10] =	ssyncadd.s32 $0xFFFFFD80  }
0x34: {  	p1 =	sne.s32 s15, s8;
	s16 =	simm.s32 @!p0 $0x1C02;
	[bflag:$0x0] =	sbarrier.arrive $0xFFFF  }
0x35: {  	[hbm:s7], [sflag:s16] =	dma.local @!p0 [spmem:s9], $0x2710  }
.Ltmp1:
0x36: {  	_ = 	snop;
	(pc) =	sbr.rel @p1 .LBB2_1-.Ltmp1, $4  }
0x37: {  	s16 =	simm.s32 @!p0 $0x2  }
0x38: {  	_ =	swait.ge @!p0 [sflag:s16], $0x2710  }
0x39: {  	[sflag:s16] =	ssyncset.done @!p0 $0x0  }
0x3a: {  	[sflag:s16] =	ssyncadd.s32 @!p0 $0xFFFFD8F0  }
0x3b: {  	_ =	sfence.sel $0x180000  }
0x3c: {  	[bflag:$0x0] =	sbarrier.arrive $0xFFFF  }
0x3d: {  	_ =	strace $0x90000047  }
0x3e: {  	s0 =	sadd.s32 @!p0 $0x100000, s0;
	[bflag:$0x2] =	sbarrier.arrive $0xFFFF  }
0x3f: {  	[sflag:s0] =	ssyncadd.tile.s32 @!p0 $0x1;
	_ =	shalt  }
.Lfunc_end2:
_tile_overlayer_lowered:
.L_overlay_start_2:
0x40: {  	(tag) =	ssettag $0x2  }
0x41: {  	s0 =	rddreg [dreg:$0x0];
	s2 =	stileid.u32  }
0x42: {  	s1 =	rddreg [dreg:$0x1];
	p0 =	sne.s32 s2, $0x0  }
0x43: {  	s3 =	rddreg [dreg:$0x2];
	[bflag:$0x3] =	sbarrier.arrive $0xFFFF;
	s2 =	simm.s32 @!p0 $0x1C02  }
0x44: {  	[timem:s3], [sflag:s2] =	dma.local @!p0 [hbm:s0], s1  }
0x45: {  	s0 =	simm.s32 @!p0 $0x2  }
0x46: {  	_ =	swait.ge @!p0 [sflag:s0], s1  }
0x47: {  	s1 =	ssub.s32 @!p0 $0x0, s1;
	[sflag:s0] =	ssyncset.done @!p0 $0x0  }
0x48: {  	[sflag:s0] =	ssyncadd.s32 @!p0 s1  }
0x49: {  	[bflag:$0x3] =	sbarrier.arrive $0xFFFF  }
0x4a: {  	_ =	shalt  }

</sc_bundles>
